<compile_context>
chip_gen: v7x
topology: tpu7x:2x2x1
jax: 0.10.2.dev20260603
libtpu: 0.0.44.dev20260713+nightly
codegen_flags: <defaults>
</compile_context>

<pallas_src>
import functools

import jax
import jax.numpy as jnp
from jax import lax
from jax.experimental import pallas as pl
from jax.experimental.pallas import tpu as pltpu
from jax.experimental.pallas import tpu_sc as plsc

D = 32
NC, NS = 2, 16
NW = NC * NS
RG = 8
NBUF = 2


@jax.jit
def _embed(idx, table):
    n, s = idx.shape
    rows_w = n // NW
    steps = rows_w // RG
    segs = [(o, min(128, s - o)) for o in range(0, s, 128)]
    mesh = plsc.VectorSubcoreMesh(
        core_axis_name="c", subcore_axis_name="s", num_cores=NC, num_subcores=NS
    )

    @functools.partial(
        pl.kernel,
        out_type=jax.ShapeDtypeStruct((n, s, D), jnp.float32),
        mesh=mesh,
        scratch_types=[
            pltpu.VMEM((rows_w, s), jnp.int32),
            pltpu.VMEM((NBUF, RG, s, D), jnp.float32),
            [pltpu.SemaphoreType.DMA] * NBUF,
            [pltpu.SemaphoreType.DMA] * NBUF,
        ],
        compiler_params=pltpu.CompilerParams(use_tc_tiling_on_sc=False),
    )
    def emb(idx_hbm, table_hbm, out_hbm, idx_v, rows_v, gsems, ssems):
        wid = lax.axis_index("s") * NC + lax.axis_index("c")
        base = pl.multiple_of(wid * rows_w, RG)

        pltpu.sync_copy(idx_hbm.at[pl.ds(base, rows_w), :], idx_v)

        def fire(step, b):
            r0 = pl.multiple_of(step * RG, RG)
            for r in range(RG):
                for (o, ln) in segs:
                    pltpu.async_copy(
                        table_hbm.at[idx_v.at[r0 + r, pl.ds(o, ln)]],
                        rows_v.at[b, r, pl.ds(o, ln), :],
                        gsems[b],
                    )

        def drain(sem, b):
            pltpu.make_async_copy(
                out_hbm.at[pl.ds(0, RG), :, :], rows_v.at[b], sem
            ).wait()

        for b in range(NBUF):
            fire(b, b)

        def body(g, carry):
            for b in range(NBUF):
                step = g * NBUF + b

                @pl.when(step < steps)
                def _():
                    drain(gsems[b], b)
                    off = pl.multiple_of(base + step * RG, RG)
                    pltpu.async_copy(
                        rows_v.at[b], out_hbm.at[pl.ds(off, RG), :, :], ssems[b]
                    )

                    @pl.when(step + NBUF < steps)
                    def _():
                        drain(ssems[b], b)
                        fire(step + NBUF, b)

            return carry

        lax.fori_loop(0, (steps + NBUF - 1) // NBUF, body, 0)
        for b in range(NBUF):
            drain(ssems[b], b)

    return emb(idx, table)


def kernel(tensor, weight):
    return _embed(tensor.astype(jnp.int32), weight)

# --- scband reference (transcript-rebuilt; emitter-appended) ---
"""Pipeline reference for scband-classing-word-embedding-49194555408536 (READ-ONLY COPY).

The authoritative reference and input builder live on the scoring server;
editing this copy changes nothing except your own understanding.
"""

import jax, jax.numpy as jnp
import numpy as np

VOCAB = 1000000
EMBED_DIM = 32
PADDING_IDX = 0


def setup_inputs(seed: int = 0) -> dict:
    key = jax.random.key(seed)
    k_idx, k_w = jax.random.split(key)
    tensor = jax.random.randint(k_idx, (4096, 200), 0, VOCAB, dtype=jnp.int64)
    # Embedding weight: xavier_uniform on rows [1:], padding row 0 zeroed (torch padding_idx=0)
    fan_in, fan_out = VOCAB - 1, EMBED_DIM
    limit = float(np.sqrt(6.0 / (fan_in + fan_out)))
    w = jax.random.uniform(k_w, (VOCAB, EMBED_DIM), minval=-limit, maxval=limit, dtype=jnp.float32)
    w = w.at[PADDING_IDX].set(0.0)
    return {"tensor": tensor, "weight": w}


def reference(tensor, weight):
    # nn.Embedding forward: gather rows of the table
    return jnp.take(weight, tensor, axis=0)

if __name__ == "__main__":
    import jax
    _d = setup_inputs()
    print(jax.jit(kernel)(*tuple(_d.values())))

</pallas_src>

<mosaic_0001>
#map = affine_map<(d0, d1) -> (0, 0)>
#map1 = affine_map<(d0, d1) -> (0, 0, 0)>
module attributes {stable_mosaic.version = 14 : i64} {
  func.func @emb(%arg0: i32, %arg1: i32, %arg2: memref<4096x200xi32, #tpu.memory_space<hbm>>, %arg3: memref<1000000x32xf32, #tpu.memory_space<hbm>>, %arg4: memref<4096x200x32xf32, #tpu.memory_space<hbm>>, %arg5: memref<128x200xi32, #tpu.memory_space<vmem>>, %arg6: memref<2x8x200x32xf32, #tpu.memory_space<vmem>>, %arg7: memref<!tpu.dma_semaphore, #tpu.memory_space<semaphore_mem>>, %arg8: memref<!tpu.dma_semaphore, #tpu.memory_space<semaphore_mem>>, %arg9: memref<!tpu.dma_semaphore, #tpu.memory_space<semaphore_mem>>, %arg10: memref<!tpu.dma_semaphore, #tpu.memory_space<semaphore_mem>>) attributes {dimension_semantics = [#tpu.dimension_semantics<core_parallel>, #tpu.dimension_semantics<subcore_parallel>], iteration_bounds = array<i64: 2, 16>, scalar_prefetch = 0 : i64, scratch_operands = 6 : i64, tpu.core_type = #tpu.core_type<sc_vector_subcore>, window_params = [{transform_indices = #map}, {transform_indices = #map}, {transform_indices = #map1}]} {
    %mul3A = arith.constant 2 : i32
    %mul3A_0 = arith.muli %arg1, %mul3A : i32
    %add3A = arith.addi %mul3A_0, %arg0 : i32
    %mul3A_1 = arith.constant 128 : i32
    %mul3A_2 = arith.muli %add3A, %mul3A_1 : i32
    %multiple_of3A = tpu.assume_multiple %mul3A_2, 8 : i32
    "tpu.region"() ({
      %run_scoped3A = tpu.sem_alloc : memref<!tpu.dma_semaphore, #tpu.memory_space<semaphore_mem>>
      %dma_start3A_496 = arith.constant 0 : i32
      %dma_start3A_497 = tpu.memref_slice %arg2[%multiple_of3A, %dma_start3A_496] : memref<4096x200xi32, #tpu.memory_space<hbm>> -> memref<128x200xi32, #tpu.memory_space<hbm>>
      %dma_start3A_498 = arith.constant 0 : i32
      %dma_start3A_499 = tpu.memref_slice %arg2[%multiple_of3A, %dma_start3A_498] : memref<4096x200xi32, #tpu.memory_space<hbm>> -> memref<128x200xi32, #tpu.memory_space<hbm>>
      tpu.enqueue_dma source(%dma_start3A_499 : memref<128x200xi32, #tpu.memory_space<hbm>>) target(%arg5 : memref<128x200xi32, #tpu.memory_space<vmem>>) target_semaphore(%run_scoped3A : memref<!tpu.dma_semaphore, #tpu.memory_space<semaphore_mem>>)
      %dma_wait3A_500 = arith.constant 0 : i32
      %dma_wait3A_501 = tpu.memref_slice %arg2[%multiple_of3A, %dma_wait3A_500] : memref<4096x200xi32, #tpu.memory_space<hbm>> -> memref<128x200xi32, #tpu.memory_space<hbm>>
      %dma_wait3A_502 = arith.constant 0 : i32
      %dma_wait3A_503 = tpu.memref_slice %arg2[%multiple_of3A, %dma_wait3A_502] : memref<4096x200xi32, #tpu.memory_space<hbm>> -> memref<128x200xi32, #tpu.memory_space<hbm>>
      tpu.wait_dma2 semaphore(%run_scoped3A : memref<!tpu.dma_semaphore, #tpu.memory_space<semaphore_mem>>) src(%dma_wait3A_503 : memref<128x200xi32, #tpu.memory_space<hbm>>) dst(%arg5 : memref<128x200xi32, #tpu.memory_space<vmem>>)
      tpu.yield
    }) : () -> ()
    %multiple_of3A_3 = arith.constant 0 : i32
    %multiple_of3A_4 = tpu.assume_multiple %multiple_of3A_3, 8 : i32
    %add3A_5 = arith.constant 0 : i32
    %add3A_6 = arith.addi %multiple_of3A_4, %add3A_5 : i32
    %dma_start3A = arith.constant 0 : i32
    %dma_start3A_7 = arith.constant 0 : i32
    %dma_start3A_8 = arith.constant 0 : i32
    %dma_start3A_9 = arith.constant 0 : i32
    %dma_start3A_10 = tpu.memref_slice %arg6[%dma_start3A, %dma_start3A_7, %dma_start3A_8, %dma_start3A_9] : memref<2x8x200x32xf32, #tpu.memory_space<vmem>> -> memref<1x1x128x32xf32, #tpu.memory_space<vmem>>
    %dma_start3A_11 = tpu.memref_squeeze %dma_start3A_10 : memref<1x1x128x32xf32, #tpu.memory_space<vmem>> -> memref<128x32xf32, #tpu.memory_space<vmem>>
    %dma_start3A_12 = arith.constant 0 : i32
    %dma_start3A_13 = tpu.memref_slice %arg5[%add3A_6, %dma_start3A_12] : memref<128x200xi32, #tpu.memory_space<vmem>> -> memref<1x128xi32, #tpu.memory_space<vmem>>
    %dma_start3A_14 = tpu.memref_squeeze %dma_start3A_13 : memref<1x128xi32, #tpu.memory_space<vmem>> -> memref<128xi32, #tpu.memory_space<vmem>>
    %dma_start3A_15 = arith.constant 0 : i32
    %dma_start3A_16 = arith.constant 0 : i32
    %dma_start3A_17 = tpu.memref_slice %arg3[%dma_start3A_15, %dma_start3A_16] : memref<1000000x32xf32, #tpu.memory_space<hbm>> -> memref<1000000x32xf32, #tpu.memory_space<hbm>>
    tpu.enqueue_indirect_dma source(%dma_start3A_17 : memref<1000000x32xf32, #tpu.memory_space<hbm>>) target(%dma_start3A_11 : memref<128x32xf32, #tpu.memory_space<vmem>>) offsets(%dma_start3A_14 : memref<128xi32, #tpu.memory_space<vmem>>) semaphore(%arg7 : memref<!tpu.dma_semaphore, #tpu.memory_space<semaphore_mem>>)
    %add3A_18 = arith.constant 0 : i32
    %add3A_19 = arith.addi %multiple_of3A_4, %add3A_18 : i32
    %dma_start3A_20 = arith.constant 0 : i32
    %dma_start3A_21 = arith.constant 0 : i32
    %dma_start3A_22 = arith.constant 128 : i32
    %dma_start3A_23 = arith.constant 0 : i32
    %dma_start3A_24 = tpu.memref_slice %arg6[%dma_start3A_20, %dma_start3A_21, %dma_start3A_22, %dma_start3A_23] : memref<2x8x200x32xf32, #tpu.memory_space<vmem>> -> memref<1x1x72x32xf32, #tpu.memory_space<vmem>>
    %dma_start3A_25 = tpu.memref_squeeze %dma_start3A_24 : memref<1x1x72x32xf32, #tpu.memory_space<vmem>> -> memref<72x32xf32, #tpu.memory_space<vmem>>
    %dma_start3A_26 = arith.constant 128 : i32
    %dma_start3A_27 = tpu.memref_slice %arg5[%add3A_19, %dma_start3A_26] : memref<128x200xi32, #tpu.memory_space<vmem>> -> memref<1x72xi32, #tpu.memory_space<vmem>>
    %dma_start3A_28 = tpu.memref_squeeze %dma_start3A_27 : memref<1x72xi32, #tpu.memory_space<vmem>> -> memref<72xi32, #tpu.memory_space<vmem>>
    %dma_start3A_29 = arith.constant 0 : i32
    %dma_start3A_30 = arith.constant 0 : i32
    %dma_start3A_31 = tpu.memref_slice %arg3[%dma_start3A_29, %dma_start3A_30] : memref<1000000x32xf32, #tpu.memory_space<hbm>> -> memref<1000000x32xf32, #tpu.memory_space<hbm>>
    tpu.enqueue_indirect_dma source(%dma_start3A_31 : memref<1000000x32xf32, #tpu.memory_space<hbm>>) target(%dma_start3A_25 : memref<72x32xf32, #tpu.memory_space<vmem>>) offsets(%dma_start3A_28 : memref<72xi32, #tpu.memory_space<vmem>>) semaphore(%arg7 : memref<!tpu.dma_semaphore, #tpu.memory_space<semaphore_mem>>)
    %add3A_32 = arith.constant 1 : i32
    %add3A_33 = arith.addi %multiple_of3A_4, %add3A_32 : i32
    %dma_start3A_34 = arith.constant 0 : i32
    %dma_start3A_35 = arith.constant 1 : i32
    %dma_start3A_36 = arith.constant 0 : i32
    %dma_start3A_37 = arith.constant 0 : i32
    %dma_start3A_38 = tpu.memref_slice %arg6[%dma_start3A_34, %dma_start3A_35, %dma_start3A_36, %dma_start3A_37] : memref<2x8x200x32xf32, #tpu.memory_space<vmem>> -> memref<1x1x128x32xf32, #tpu.memory_space<vmem>>
    %dma_start3A_39 = tpu.memref_squeeze %dma_start3A_38 : memref<1x1x128x32xf32, #tpu.memory_space<vmem>> -> memref<128x32xf32, #tpu.memory_space<vmem>>
    %dma_start3A_40 = arith.constant 0 : i32
    %dma_start3A_41 = tpu.memref_slice %arg5[%add3A_33, %dma_start3A_40] : memref<128x200xi32, #tpu.memory_space<vmem>> -> memref<1x128xi32, #tpu.memory_space<vmem>>
    %dma_start3A_42 = tpu.memref_squeeze %dma_start3A_41 : memref<1x128xi32, #tpu.memory_space<vmem>> -> memref<128xi32, #tpu.memory_space<vmem>>
    %dma_start3A_43 = arith.constant 0 : i32
    %dma_start3A_44 = arith.constant 0 : i32
    %dma_start3A_45 = tpu.memref_slice %arg3[%dma_start3A_43, %dma_start3A_44] : memref<1000000x32xf32, #tpu.memory_space<hbm>> -> memref<1000000x32xf32, #tpu.memory_space<hbm>>
    tpu.enqueue_indirect_dma source(%dma_start3A_45 : memref<1000000x32xf32, #tpu.memory_space<hbm>>) target(%dma_start3A_39 : memref<128x32xf32, #tpu.memory_space<vmem>>) offsets(%dma_start3A_42 : memref<128xi32, #tpu.memory_space<vmem>>) semaphore(%arg7 : memref<!tpu.dma_semaphore, #tpu.memory_space<semaphore_mem>>)
    %add3A_46 = arith.constant 1 : i32
    %add3A_47 = arith.addi %multiple_of3A_4, %add3A_46 : i32
    %dma_start3A_48 = arith.constant 0 : i32
    %dma_start3A_49 = arith.constant 1 : i32
    %dma_start3A_50 = arith.constant 128 : i32
    %dma_start3A_51 = arith.constant 0 : i32
    %dma_start3A_52 = tpu.memref_slice %arg6[%dma_start3A_48, %dma_start3A_49, %dma_start3A_50, %dma_start3A_51] : memref<2x8x200x32xf32, #tpu.memory_space<vmem>> -> memref<1x1x72x32xf32, #tpu.memory_space<vmem>>
    %dma_start3A_53 = tpu.memref_squeeze %dma_start3A_52 : memref<1x1x72x32xf32, #tpu.memory_space<vmem>> -> memref<72x32xf32, #tpu.memory_space<vmem>>
    %dma_start3A_54 = arith.constant 128 : i32
    %dma_start3A_55 = tpu.memref_slice %arg5[%add3A_47, %dma_start3A_54] : memref<128x200xi32, #tpu.memory_space<vmem>> -> memref<1x72xi32, #tpu.memory_space<vmem>>
    %dma_start3A_56 = tpu.memref_squeeze %dma_start3A_55 : memref<1x72xi32, #tpu.memory_space<vmem>> -> memref<72xi32, #tpu.memory_space<vmem>>
    %dma_start3A_57 = arith.constant 0 : i32
    %dma_start3A_58 = arith.constant 0 : i32
    %dma_start3A_59 = tpu.memref_slice %arg3[%dma_start3A_57, %dma_start3A_58] : memref<1000000x32xf32, #tpu.memory_space<hbm>> -> memref<1000000x32xf32, #tpu.memory_space<hbm>>
    tpu.enqueue_indirect_dma source(%dma_start3A_59 : memref<1000000x32xf32, #tpu.memory_space<hbm>>) target(%dma_start3A_53 : memref<72x32xf32, #tpu.memory_space<vmem>>) offsets(%dma_start3A_56 : memref<72xi32, #tpu.memory_space<vmem>>) semaphore(%arg7 : memref<!tpu.dma_semaphore, #tpu.memory_space<semaphore_mem>>)
    %add3A_60 = arith.constant 2 : i32
    %add3A_61 = arith.addi %multiple_of3A_4, %add3A_60 : i32
    %dma_start3A_62 = arith.constant 0 : i32
    %dma_start3A_63 = arith.constant 2 : i32
    %dma_start3A_64 = arith.constant 0 : i32
    %dma_start3A_65 = arith.constant 0 : i32
    %dma_start3A_66 = tpu.memref_slice %arg6[%dma_start3A_62, %dma_start3A_63, %dma_start3A_64, %dma_start3A_65] : memref<2x8x200x32xf32, #tpu.memory_space<vmem>> -> memref<1x1x128x32xf32, #tpu.memory_space<vmem>>
    %dma_start3A_67 = tpu.memref_squeeze %dma_start3A_66 : memref<1x1x128x32xf32, #tpu.memory_space<vmem>> -> memref<128x32xf32, #tpu.memory_space<vmem>>
    %dma_start3A_68 = arith.constant 0 : i32
    %dma_start3A_69 = tpu.memref_slice %arg5[%add3A_61, %dma_start3A_68] : memref<128x200xi32, #tpu.memory_space<vmem>> -> memref<1x128xi32, #tpu.memory_space<vmem>>
    %dma_start3A_70 = tpu.memref_squeeze %dma_start3A_69 : memref<1x128xi32, #tpu.memory_space<vmem>> -> memref<128xi32, #tpu.memory_space<vmem>>
    %dma_start3A_71 = arith.constant 0 : i32
    %dma_start3A_72 = arith.constant 0 : i32
    %dma_start3A_73 = tpu.memref_slice %arg3[%dma_start3A_71, %dma_start3A_72] : memref<1000000x32xf32, #tpu.memory_space<hbm>> -> memref<1000000x32xf32, #tpu.memory_space<hbm>>
    tpu.enqueue_indirect_dma source(%dma_start3A_73 : memref<1000000x32xf32, #tpu.memory_space<hbm>>) target(%dma_start3A_67 : memref<128x32xf32, #tpu.memory_space<vmem>>) offsets(%dma_start3A_70 : memref<128xi32, #tpu.memory_space<vmem>>) semaphore(%arg7 : memref<!tpu.dma_semaphore, #tpu.memory_space<semaphore_mem>>)
    %add3A_74 = arith.constant 2 : i32
    %add3A_75 = arith.addi %multiple_of3A_4, %add3A_74 : i32
    %dma_start3A_76 = arith.constant 0 : i32
    %dma_start3A_77 = arith.constant 2 : i32
    %dma_start3A_78 = arith.constant 128 : i32
    %dma_start3A_79 = arith.constant 0 : i32
    %dma_start3A_80 = tpu.memref_slice %arg6[%dma_start3A_76, %dma_start3A_77, %dma_start3A_78, %dma_start3A_79] : memref<2x8x200x32xf32, #tpu.memory_space<vmem>> -> memref<1x1x72x32xf32, #tpu.memory_space<vmem>>
    %dma_start3A_81 = tpu.memref_squeeze %dma_start3A_80 : memref<1x1x72x32xf32, #tpu.memory_space<vmem>> -> memref<72x32xf32, #tpu.memory_space<vmem>>
    %dma_start3A_82 = arith.constant 128 : i32
    %dma_start3A_83 = tpu.memref_slice %arg5[%add3A_75, %dma_start3A_82] : memref<128x200xi32, #tpu.memory_space<vmem>> -> memref<1x72xi32, #tpu.memory_space<vmem>>
    %dma_start3A_84 = tpu.memref_squeeze %dma_start3A_83 : memref<1x72xi32, #tpu.memory_space<vmem>> -> memref<72xi32, #tpu.memory_space<vmem>>
    %dma_start3A_85 = arith.constant 0 : i32
    %dma_start3A_86 = arith.constant 0 : i32
    %dma_start3A_87 = tpu.memref_slice %arg3[%dma_start3A_85, %dma_start3A_86] : memref<1000000x32xf32, #tpu.memory_space<hbm>> -> memref<1000000x32xf32, #tpu.memory_space<hbm>>
    tpu.enqueue_indirect_dma source(%dma_start3A_87 : memref<1000000x32xf32, #tpu.memory_space<hbm>>) target(%dma_start3A_81 : memref<72x32xf32, #tpu.memory_space<vmem>>) offsets(%dma_start3A_84 : memref<72xi32, #tpu.memory_space<vmem>>) semaphore(%arg7 : memref<!tpu.dma_semaphore, #tpu.memory_space<semaphore_mem>>)
    %add3A_88 = arith.constant 3 : i32
    %add3A_89 = arith.addi %multiple_of3A_4, %add3A_88 : i32
    %dma_start3A_90 = arith.constant 0 : i32
    %dma_start3A_91 = arith.constant 3 : i32
    %dma_start3A_92 = arith.constant 0 : i32
    %dma_start3A_93 = arith.constant 0 : i32
    %dma_start3A_94 = tpu.memref_slice %arg6[%dma_start3A_90, %dma_start3A_91, %dma_start3A_92, %dma_start3A_93] : memref<2x8x200x32xf32, #tpu.memory_space<vmem>> -> memref<1x1x128x32xf32, #tpu.memory_space<vmem>>
    %dma_start3A_95 = tpu.memref_squeeze %dma_start3A_94 : memref<1x1x128x32xf32, #tpu.memory_space<vmem>> -> memref<128x32xf32, #tpu.memory_space<vmem>>
    %dma_start3A_96 = arith.constant 0 : i32
    %dma_start3A_97 = tpu.memref_slice %arg5[%add3A_89, %dma_start3A_96] : memref<128x200xi32, #tpu.memory_space<vmem>> -> memref<1x128xi32, #tpu.memory_space<vmem>>
    %dma_start3A_98 = tpu.memref_squeeze %dma_start3A_97 : memref<1x128xi32, #tpu.memory_space<vmem>> -> memref<128xi32, #tpu.memory_space<vmem>>
    %dma_start3A_99 = arith.constant 0 : i32
    %dma_start3A_100 = arith.constant 0 : i32
    %dma_start3A_101 = tpu.memref_slice %arg3[%dma_start3A_99, %dma_start3A_100] : memref<1000000x32xf32, #tpu.memory_space<hbm>> -> memref<1000000x32xf32, #tpu.memory_space<hbm>>
    tpu.enqueue_indirect_dma source(%dma_start3A_101 : memref<1000000x32xf32, #tpu.memory_space<hbm>>) target(%dma_start3A_95 : memref<128x32xf32, #tpu.memory_space<vmem>>) offsets(%dma_start3A_98 : memref<128xi32, #tpu.memory_space<vmem>>) semaphore(%arg7 : memref<!tpu.dma_semaphore, #tpu.memory_space<semaphore_mem>>)
    %add3A_102 = arith.constant 3 : i32
    %add3A_103 = arith.addi %multiple_of3A_4, %add3A_102 : i32
    %dma_start3A_104 = arith.constant 0 : i32
    %dma_start3A_105 = arith.constant 3 : i32
    %dma_start3A_106 = arith.constant 128 : i32
    %dma_start3A_107 = arith.constant 0 : i32
    %dma_start3A_108 = tpu.memref_slice %arg6[%dma_start3A_104, %dma_start3A_105, %dma_start3A_106, %dma_start3A_107] : memref<2x8x200x32xf32, #tpu.memory_space<vmem>> -> memref<1x1x72x32xf32, #tpu.memory_space<vmem>>
    %dma_start3A_109 = tpu.memref_squeeze %dma_start3A_108 : memref<1x1x72x32xf32, #tpu.memory_space<vmem>> -> memref<72x32xf32, #tpu.memory_space<vmem>>
    %dma_start3A_110 = arith.constant 128 : i32
    %dma_start3A_111 = tpu.memref_slice %arg5[%add3A_103, %dma_start3A_110] : memref<128x200xi32, #tpu.memory_space<vmem>> -> memref<1x72xi32, #tpu.memory_space<vmem>>
    %dma_start3A_112 = tpu.memref_squeeze %dma_start3A_111 : memref<1x72xi32, #tpu.memory_space<vmem>> -> memref<72xi32, #tpu.memory_space<vmem>>
    %dma_start3A_113 = arith.constant 0 : i32
    %dma_start3A_114 = arith.constant 0 : i32
    %dma_start3A_115 = tpu.memref_slice %arg3[%dma_start3A_113, %dma_start3A_114] : memref<1000000x32xf32, #tpu.memory_space<hbm>> -> memref<1000000x32xf32, #tpu.memory_space<hbm>>
    tpu.enqueue_indirect_dma source(%dma_start3A_115 : memref<1000000x32xf32, #tpu.memory_space<hbm>>) target(%dma_start3A_109 : memref<72x32xf32, #tpu.memory_space<vmem>>) offsets(%dma_start3A_112 : memref<72xi32, #tpu.memory_space<vmem>>) semaphore(%arg7 : memref<!tpu.dma_semaphore, #tpu.memory_space<semaphore_mem>>)
    %add3A_116 = arith.constant 4 : i32
    %add3A_117 = arith.addi %multiple_of3A_4, %add3A_116 : i32
    %dma_start3A_118 = arith.constant 0 : i32
    %dma_start3A_119 = arith.constant 4 : i32
    %dma_start3A_120 = arith.constant 0 : i32
    %dma_start3A_121 = arith.constant 0 : i32
    %dma_start3A_122 = tpu.memref_slice %arg6[%dma_start3A_118, %dma_start3A_119, %dma_start3A_120, %dma_start3A_121] : memref<2x8x200x32xf32, #tpu.memory_space<vmem>> -> memref<1x1x128x32xf32, #tpu.memory_space<vmem>>
    %dma_start3A_123 = tpu.memref_squeeze %dma_start3A_122 : memref<1x1x128x32xf32, #tpu.memory_space<vmem>> -> memref<128x32xf32, #tpu.memory_space<vmem>>
    %dma_start3A_124 = arith.constant 0 : i32
    %dma_start3A_125 = tpu.memref_slice %arg5[%add3A_117, %dma_start3A_124] : memref<128x200xi32, #tpu.memory_space<vmem>> -> memref<1x128xi32, #tpu.memory_space<vmem>>
    %dma_start3A_126 = tpu.memref_squeeze %dma_start3A_125 : memref<1x128xi32, #tpu.memory_space<vmem>> -> memref<128xi32, #tpu.memory_space<vmem>>
    %dma_start3A_127 = arith.constant 0 : i32
    %dma_start3A_128 = arith.constant 0 : i32
    %dma_start3A_129 = tpu.memref_slice %arg3[%dma_start3A_127, %dma_start3A_128] : memref<1000000x32xf32, #tpu.memory_space<hbm>> -> memref<1000000x32xf32, #tpu.memory_space<hbm>>
    tpu.enqueue_indirect_dma source(%dma_start3A_129 : memref<1000000x32xf32, #tpu.memory_space<hbm>>) target(%dma_start3A_123 : memref<128x32xf32, #tpu.memory_space<vmem>>) offsets(%dma_start3A_126 : memref<128xi32, #tpu.memory_space<vmem>>) semaphore(%arg7 : memref<!tpu.dma_semaphore, #tpu.memory_space<semaphore_mem>>)
    %add3A_130 = arith.constant 4 : i32
    %add3A_131 = arith.addi %multiple_of3A_4, %add3A_130 : i32
    %dma_start3A_132 = arith.constant 0 : i32
    %dma_start3A_133 = arith.constant 4 : i32
    %dma_start3A_134 = arith.constant 128 : i32
    %dma_start3A_135 = arith.constant 0 : i32
    %dma_start3A_136 = tpu.memref_slice %arg6[%dma_start3A_132, %dma_start3A_133, %dma_start3A_134, %dma_start3A_135] : memref<2x8x200x32xf32, #tpu.memory_space<vmem>> -> memref<1x1x72x32xf32, #tpu.memory_space<vmem>>
    %dma_start3A_137 = tpu.memref_squeeze %dma_start3A_136 : memref<1x1x72x32xf32, #tpu.memory_space<vmem>> -> memref<72x32xf32, #tpu.memory_space<vmem>>
    %dma_start3A_138 = arith.constant 128 : i32
    %dma_start3A_139 = tpu.memref_slice %arg5[%add3A_131, %dma_start3A_138] : memref<128x200xi32, #tpu.memory_space<vmem>> -> memref<1x72xi32, #tpu.memory_space<vmem>>
    %dma_start3A_140 = tpu.memref_squeeze %dma_start3A_139 : memref<1x72xi32, #tpu.memory_space<vmem>> -> memref<72xi32, #tpu.memory_space<vmem>>
    %dma_start3A_141 = arith.constant 0 : i32
    %dma_start3A_142 = arith.constant 0 : i32
    %dma_start3A_143 = tpu.memref_slice %arg3[%dma_start3A_141, %dma_start3A_142] : memref<1000000x32xf32, #tpu.memory_space<hbm>> -> memref<1000000x32xf32, #tpu.memory_space<hbm>>
    tpu.enqueue_indirect_dma source(%dma_start3A_143 : memref<1000000x32xf32, #tpu.memory_space<hbm>>) target(%dma_start3A_137 : memref<72x32xf32, #tpu.memory_space<vmem>>) offsets(%dma_start3A_140 : memref<72xi32, #tpu.memory_space<vmem>>) semaphore(%arg7 : memref<!tpu.dma_semaphore, #tpu.memory_space<semaphore_mem>>)
    %add3A_144 = arith.constant 5 : i32
    %add3A_145 = arith.addi %multiple_of3A_4, %add3A_144 : i32
    %dma_start3A_146 = arith.constant 0 : i32
    %dma_start3A_147 = arith.constant 5 : i32
    %dma_start3A_148 = arith.constant 0 : i32
    %dma_start3A_149 = arith.constant 0 : i32
    %dma_start3A_150 = tpu.memref_slice %arg6[%dma_start3A_146, %dma_start3A_147, %dma_start3A_148, %dma_start3A_149] : memref<2x8x200x32xf32, #tpu.memory_space<vmem>> -> memref<1x1x128x32xf32, #tpu.memory_space<vmem>>
    %dma_start3A_151 = tpu.memref_squeeze %dma_start3A_150 : memref<1x1x128x32xf32, #tpu.memory_space<vmem>> -> memref<128x32xf32, #tpu.memory_space<vmem>>
    %dma_start3A_152 = arith.constant 0 : i32
    %dma_start3A_153 = tpu.memref_slice %arg5[%add3A_145, %dma_start3A_152] : memref<128x200xi32, #tpu.memory_space<vmem>> -> memref<1x128xi32, #tpu.memory_space<vmem>>
    %dma_start3A_154 = tpu.memref_squeeze %dma_start3A_153 : memref<1x128xi32, #tpu.memory_space<vmem>> -> memref<128xi32, #tpu.memory_space<vmem>>
    %dma_start3A_155 = arith.constant 0 : i32
    %dma_start3A_156 = arith.constant 0 : i32
    %dma_start3A_157 = tpu.memref_slice %arg3[%dma_start3A_155, %dma_start3A_156] : memref<1000000x32xf32, #tpu.memory_space<hbm>> -> memref<1000000x32xf32, #tpu.memory_space<hbm>>
    tpu.enqueue_indirect_dma source(%dma_start3A_157 : memref<1000000x32xf32, #tpu.memory_space<hbm>>) target(%dma_start3A_151 : memref<128x32xf32, #tpu.memory_space<vmem>>) offsets(%dma_start3A_154 : memref<128xi32, #tpu.memory_space<vmem>>) semaphore(%arg7 : memref<!tpu.dma_semaphore, #tpu.memory_space<semaphore_mem>>)
    %add3A_158 = arith.constant 5 : i32
    %add3A_159 = arith.addi %multiple_of3A_4, %add3A_158 : i32
    %dma_start3A_160 = arith.constant 0 : i32
    %dma_start3A_161 = arith.constant 5 : i32
    %dma_start3A_162 = arith.constant 128 : i32
    %dma_start3A_163 = arith.constant 0 : i32
    %dma_start3A_164 = tpu.memref_slice %arg6[%dma_start3A_160, %dma_start3A_161, %dma_start3A_162, %dma_start3A_163] : memref<2x8x200x32xf32, #tpu.memory_space<vmem>> -> memref<1x1x72x32xf32, #tpu.memory_space<vmem>>
    %dma_start3A_165 = tpu.memref_squeeze %dma_start3A_164 : memref<1x1x72x32xf32, #tpu.memory_space<vmem>> -> memref<72x32xf32, #tpu.memory_space<vmem>>
    %dma_start3A_166 = arith.constant 128 : i32
    %dma_start3A_167 = tpu.memref_slice %arg5[%add3A_159, %dma_start3A_166] : memref<128x200xi32, #tpu.memory_space<vmem>> -> memref<1x72xi32, #tpu.memory_space<vmem>>
    %dma_start3A_168 = tpu.memref_squeeze %dma_start3A_167 : memref<1x72xi32, #tpu.memory_space<vmem>> -> memref<72xi32, #tpu.memory_space<vmem>>
    %dma_start3A_169 = arith.constant 0 : i32
    %dma_start3A_170 = arith.constant 0 : i32
    %dma_start3A_171 = tpu.memref_slice %arg3[%dma_start3A_169, %dma_start3A_170] : memref<1000000x32xf32, #tpu.memory_space<hbm>> -> memref<1000000x32xf32, #tpu.memory_space<hbm>>
    tpu.enqueue_indirect_dma source(%dma_start3A_171 : memref<1000000x32xf32, #tpu.memory_space<hbm>>) target(%dma_start3A_165 : memref<72x32xf32, #tpu.memory_space<vmem>>) offsets(%dma_start3A_168 : memref<72xi32, #tpu.memory_space<vmem>>) semaphore(%arg7 : memref<!tpu.dma_semaphore, #tpu.memory_space<semaphore_mem>>)
    %add3A_172 = arith.constant 6 : i32
    %add3A_173 = arith.addi %multiple_of3A_4, %add3A_172 : i32
    %dma_start3A_174 = arith.constant 0 : i32
    %dma_start3A_175 = arith.constant 6 : i32
    %dma_start3A_176 = arith.constant 0 : i32
    %dma_start3A_177 = arith.constant 0 : i32
    %dma_start3A_178 = tpu.memref_slice %arg6[%dma_start3A_174, %dma_start3A_175, %dma_start3A_176, %dma_start3A_177] : memref<2x8x200x32xf32, #tpu.memory_space<vmem>> -> memref<1x1x128x32xf32, #tpu.memory_space<vmem>>
    %dma_start3A_179 = tpu.memref_squeeze %dma_start3A_178 : memref<1x1x128x32xf32, #tpu.memory_space<vmem>> -> memref<128x32xf32, #tpu.memory_space<vmem>>
    %dma_start3A_180 = arith.constant 0 : i32
    %dma_start3A_181 = tpu.memref_slice %arg5[%add3A_173, %dma_start3A_180] : memref<128x200xi32, #tpu.memory_space<vmem>> -> memref<1x128xi32, #tpu.memory_space<vmem>>
    %dma_start3A_182 = tpu.memref_squeeze %dma_start3A_181 : memref<1x128xi32, #tpu.memory_space<vmem>> -> memref<128xi32, #tpu.memory_space<vmem>>
    %dma_start3A_183 = arith.constant 0 : i32
    %dma_start3A_184 = arith.constant 0 : i32
    %dma_start3A_185 = tpu.memref_slice %arg3[%dma_start3A_183, %dma_start3A_184] : memref<1000000x32xf32, #tpu.memory_space<hbm>> -> memref<1000000x32xf32, #tpu.memory_space<hbm>>
    tpu.enqueue_indirect_dma source(%dma_start3A_185 : memref<1000000x32xf32, #tpu.memory_space<hbm>>) target(%dma_start3A_179 : memref<128x32xf32, #tpu.memory_space<vmem>>) offsets(%dma_start3A_182 : memref<128xi32, #tpu.memory_space<vmem>>) semaphore(%arg7 : memref<!tpu.dma_semaphore, #tpu.memory_space<semaphore_mem>>)
    %add3A_186 = arith.constant 6 : i32
    %add3A_187 = arith.addi %multiple_of3A_4, %add3A_186 : i32
    %dma_start3A_188 = arith.constant 0 : i32
    %dma_start3A_189 = arith.constant 6 : i32
    %dma_start3A_190 = arith.constant 128 : i32
    %dma_start3A_191 = arith.constant 0 : i32
    %dma_start3A_192 = tpu.memref_slice %arg6[%dma_start3A_188, %dma_start3A_189, %dma_start3A_190, %dma_start3A_191] : memref<2x8x200x32xf32, #tpu.memory_space<vmem>> -> memref<1x1x72x32xf32, #tpu.memory_space<vmem>>
    %dma_start3A_193 = tpu.memref_squeeze %dma_start3A_192 : memref<1x1x72x32xf32, #tpu.memory_space<vmem>> -> memref<72x32xf32, #tpu.memory_space<vmem>>
    %dma_start3A_194 = arith.constant 128 : i32
    %dma_start3A_195 = tpu.memref_slice %arg5[%add3A_187, %dma_start3A_194] : memref<128x200xi32, #tpu.memory_space<vmem>> -> memref<1x72xi32, #tpu.memory_space<vmem>>
    %dma_start3A_196 = tpu.memref_squeeze %dma_start3A_195 : memref<1x72xi32, #tpu.memory_space<vmem>> -> memref<72xi32, #tpu.memory_space<vmem>>
    %dma_start3A_197 = arith.constant 0 : i32
    %dma_start3A_198 = arith.constant 0 : i32
    %dma_start3A_199 = tpu.memref_slice %arg3[%dma_start3A_197, %dma_start3A_198] : memref<1000000x32xf32, #tpu.memory_space<hbm>> -> memref<1000000x32xf32, #tpu.memory_space<hbm>>
    tpu.enqueue_indirect_dma source(%dma_start3A_199 : memref<1000000x32xf32, #tpu.memory_space<hbm>>) target(%dma_start3A_193 : memref<72x32xf32, #tpu.memory_space<vmem>>) offsets(%dma_start3A_196 : memref<72xi32, #tpu.memory_space<vmem>>) semaphore(%arg7 : memref<!tpu.dma_semaphore, #tpu.memory_space<semaphore_mem>>)
    %add3A_200 = arith.constant 7 : i32
    %add3A_201 = arith.addi %multiple_of3A_4, %add3A_200 : i32
    %dma_start3A_202 = arith.constant 0 : i32
    %dma_start3A_203 = arith.constant 7 : i32
    %dma_start3A_204 = arith.constant 0 : i32
    %dma_start3A_205 = arith.constant 0 : i32
    %dma_start3A_206 = tpu.memref_slice %arg6[%dma_start3A_202, %dma_start3A_203, %dma_start3A_204, %dma_start3A_205] : memref<2x8x200x32xf32, #tpu.memory_space<vmem>> -> memref<1x1x128x32xf32, #tpu.memory_space<vmem>>
    %dma_start3A_207 = tpu.memref_squeeze %dma_start3A_206 : memref<1x1x128x32xf32, #tpu.memory_space<vmem>> -> memref<128x32xf32, #tpu.memory_space<vmem>>
    %dma_start3A_208 = arith.constant 0 : i32
    %dma_start3A_209 = tpu.memref_slice %arg5[%add3A_201, %dma_start3A_208] : memref<128x200xi32, #tpu.memory_space<vmem>> -> memref<1x128xi32, #tpu.memory_space<vmem>>
    %dma_start3A_210 = tpu.memref_squeeze %dma_start3A_209 : memref<1x128xi32, #tpu.memory_space<vmem>> -> memref<128xi32, #tpu.memory_space<vmem>>
    %dma_start3A_211 = arith.constant 0 : i32
    %dma_start3A_212 = arith.constant 0 : i32
    %dma_start3A_213 = tpu.memref_slice %arg3[%dma_start3A_211, %dma_start3A_212] : memref<1000000x32xf32, #tpu.memory_space<hbm>> -> memref<1000000x32xf32, #tpu.memory_space<hbm>>
    tpu.enqueue_indirect_dma source(%dma_start3A_213 : memref<1000000x32xf32, #tpu.memory_space<hbm>>) target(%dma_start3A_207 : memref<128x32xf32, #tpu.memory_space<vmem>>) offsets(%dma_start3A_210 : memref<128xi32, #tpu.memory_space<vmem>>) semaphore(%arg7 : memref<!tpu.dma_semaphore, #tpu.memory_space<semaphore_mem>>)
    %add3A_214 = arith.constant 7 : i32
    %add3A_215 = arith.addi %multiple_of3A_4, %add3A_214 : i32
    %dma_start3A_216 = arith.constant 0 : i32
    %dma_start3A_217 = arith.constant 7 : i32
    %dma_start3A_218 = arith.constant 128 : i32
    %dma_start3A_219 = arith.constant 0 : i32
    %dma_start3A_220 = tpu.memref_slice %arg6[%dma_start3A_216, %dma_start3A_217, %dma_start3A_218, %dma_start3A_219] : memref<2x8x200x32xf32, #tpu.memory_space<vmem>> -> memref<1x1x72x32xf32, #tpu.memory_space<vmem>>
    %dma_start3A_221 = tpu.memref_squeeze %dma_start3A_220 : memref<1x1x72x32xf32, #tpu.memory_space<vmem>> -> memref<72x32xf32, #tpu.memory_space<vmem>>
    %dma_start3A_222 = arith.constant 128 : i32
    %dma_start3A_223 = tpu.memref_slice %arg5[%add3A_215, %dma_start3A_222] : memref<128x200xi32, #tpu.memory_space<vmem>> -> memref<1x72xi32, #tpu.memory_space<vmem>>
    %dma_start3A_224 = tpu.memref_squeeze %dma_start3A_223 : memref<1x72xi32, #tpu.memory_space<vmem>> -> memref<72xi32, #tpu.memory_space<vmem>>
    %dma_start3A_225 = arith.constant 0 : i32
    %dma_start3A_226 = arith.constant 0 : i32
    %dma_start3A_227 = tpu.memref_slice %arg3[%dma_start3A_225, %dma_start3A_226] : memref<1000000x32xf32, #tpu.memory_space<hbm>> -> memref<1000000x32xf32, #tpu.memory_space<hbm>>
    tpu.enqueue_indirect_dma source(%dma_start3A_227 : memref<1000000x32xf32, #tpu.memory_space<hbm>>) target(%dma_start3A_221 : memref<72x32xf32, #tpu.memory_space<vmem>>) offsets(%dma_start3A_224 : memref<72xi32, #tpu.memory_space<vmem>>) semaphore(%arg7 : memref<!tpu.dma_semaphore, #tpu.memory_space<semaphore_mem>>)
    %multiple_of3A_228 = arith.constant 8 : i32
    %multiple_of3A_229 = tpu.assume_multiple %multiple_of3A_228, 8 : i32
    %add3A_230 = arith.constant 0 : i32
    %add3A_231 = arith.addi %multiple_of3A_229, %add3A_230 : i32
    %dma_start3A_232 = arith.constant 1 : i32
    %dma_start3A_233 = arith.constant 0 : i32
    %dma_start3A_234 = arith.constant 0 : i32
    %dma_start3A_235 = arith.constant 0 : i32
    %dma_start3A_236 = tpu.memref_slice %arg6[%dma_start3A_232, %dma_start3A_233, %dma_start3A_234, %dma_start3A_235] : memref<2x8x200x32xf32, #tpu.memory_space<vmem>> -> memref<1x1x128x32xf32, #tpu.memory_space<vmem>>
    %dma_start3A_237 = tpu.memref_squeeze %dma_start3A_236 : memref<1x1x128x32xf32, #tpu.memory_space<vmem>> -> memref<128x32xf32, #tpu.memory_space<vmem>>
    %dma_start3A_238 = arith.constant 0 : i32
    %dma_start3A_239 = tpu.memref_slice %arg5[%add3A_231, %dma_start3A_238] : memref<128x200xi32, #tpu.memory_space<vmem>> -> memref<1x128xi32, #tpu.memory_space<vmem>>
    %dma_start3A_240 = tpu.memref_squeeze %dma_start3A_239 : memref<1x128xi32, #tpu.memory_space<vmem>> -> memref<128xi32, #tpu.memory_space<vmem>>
    %dma_start3A_241 = arith.constant 0 : i32
    %dma_start3A_242 = arith.constant 0 : i32
    %dma_start3A_243 = tpu.memref_slice %arg3[%dma_start3A_241, %dma_start3A_242] : memref<1000000x32xf32, #tpu.memory_space<hbm>> -> memref<1000000x32xf32, #tpu.memory_space<hbm>>
    tpu.enqueue_indirect_dma source(%dma_start3A_243 : memref<1000000x32xf32, #tpu.memory_space<hbm>>) target(%dma_start3A_237 : memref<128x32xf32, #tpu.memory_space<vmem>>) offsets(%dma_start3A_240 : memref<128xi32, #tpu.memory_space<vmem>>) semaphore(%arg8 : memref<!tpu.dma_semaphore, #tpu.memory_space<semaphore_mem>>)
    %add3A_244 = arith.constant 0 : i32
    %add3A_245 = arith.addi %multiple_of3A_229, %add3A_244 : i32
    %dma_start3A_246 = arith.constant 1 : i32
    %dma_start3A_247 = arith.constant 0 : i32
    %dma_start3A_248 = arith.constant 128 : i32
    %dma_start3A_249 = arith.constant 0 : i32
    %dma_start3A_250 = tpu.memref_slice %arg6[%dma_start3A_246, %dma_start3A_247, %dma_start3A_248, %dma_start3A_249] : memref<2x8x200x32xf32, #tpu.memory_space<vmem>> -> memref<1x1x72x32xf32, #tpu.memory_space<vmem>>
    %dma_start3A_251 = tpu.memref_squeeze %dma_start3A_250 : memref<1x1x72x32xf32, #tpu.memory_space<vmem>> -> memref<72x32xf32, #tpu.memory_space<vmem>>
    %dma_start3A_252 = arith.constant 128 : i32
    %dma_start3A_253 = tpu.memref_slice %arg5[%add3A_245, %dma_start3A_252] : memref<128x200xi32, #tpu.memory_space<vmem>> -> memref<1x72xi32, #tpu.memory_space<vmem>>
    %dma_start3A_254 = tpu.memref_squeeze %dma_start3A_253 : memref<1x72xi32, #tpu.memory_space<vmem>> -> memref<72xi32, #tpu.memory_space<vmem>>
    %dma_start3A_255 = arith.constant 0 : i32
    %dma_start3A_256 = arith.constant 0 : i32
    %dma_start3A_257 = tpu.memref_slice %arg3[%dma_start3A_255, %dma_start3A_256] : memref<1000000x32xf32, #tpu.memory_space<hbm>> -> memref<1000000x32xf32, #tpu.memory_space<hbm>>
    tpu.enqueue_indirect_dma source(%dma_start3A_257 : memref<1000000x32xf32, #tpu.memory_space<hbm>>) target(%dma_start3A_251 : memref<72x32xf32, #tpu.memory_space<vmem>>) offsets(%dma_start3A_254 : memref<72xi32, #tpu.memory_space<vmem>>) semaphore(%arg8 : memref<!tpu.dma_semaphore, #tpu.memory_space<semaphore_mem>>)
    %add3A_258 = arith.constant 1 : i32
    %add3A_259 = arith.addi %multiple_of3A_229, %add3A_258 : i32
    %dma_start3A_260 = arith.constant 1 : i32
    %dma_start3A_261 = arith.constant 1 : i32
    %dma_start3A_262 = arith.constant 0 : i32
    %dma_start3A_263 = arith.constant 0 : i32
    %dma_start3A_264 = tpu.memref_slice %arg6[%dma_start3A_260, %dma_start3A_261, %dma_start3A_262, %dma_start3A_263] : memref<2x8x200x32xf32, #tpu.memory_space<vmem>> -> memref<1x1x128x32xf32, #tpu.memory_space<vmem>>
    %dma_start3A_265 = tpu.memref_squeeze %dma_start3A_264 : memref<1x1x128x32xf32, #tpu.memory_space<vmem>> -> memref<128x32xf32, #tpu.memory_space<vmem>>
    %dma_start3A_266 = arith.constant 0 : i32
    %dma_start3A_267 = tpu.memref_slice %arg5[%add3A_259, %dma_start3A_266] : memref<128x200xi32, #tpu.memory_space<vmem>> -> memref<1x128xi32, #tpu.memory_space<vmem>>
    %dma_start3A_268 = tpu.memref_squeeze %dma_start3A_267 : memref<1x128xi32, #tpu.memory_space<vmem>> -> memref<128xi32, #tpu.memory_space<vmem>>
    %dma_start3A_269 = arith.constant 0 : i32
    %dma_start3A_270 = arith.constant 0 : i32
    %dma_start3A_271 = tpu.memref_slice %arg3[%dma_start3A_269, %dma_start3A_270] : memref<1000000x32xf32, #tpu.memory_space<hbm>> -> memref<1000000x32xf32, #tpu.memory_space<hbm>>
    tpu.enqueue_indirect_dma source(%dma_start3A_271 : memref<1000000x32xf32, #tpu.memory_space<hbm>>) target(%dma_start3A_265 : memref<128x32xf32, #tpu.memory_space<vmem>>) offsets(%dma_start3A_268 : memref<128xi32, #tpu.memory_space<vmem>>) semaphore(%arg8 : memref<!tpu.dma_semaphore, #tpu.memory_space<semaphore_mem>>)
    %add3A_272 = arith.constant 1 : i32
    %add3A_273 = arith.addi %multiple_of3A_229, %add3A_272 : i32
    %dma_start3A_274 = arith.constant 1 : i32
    %dma_start3A_275 = arith.constant 1 : i32
    %dma_start3A_276 = arith.constant 128 : i32
    %dma_start3A_277 = arith.constant 0 : i32
    %dma_start3A_278 = tpu.memref_slice %arg6[%dma_start3A_274, %dma_start3A_275, %dma_start3A_276, %dma_start3A_277] : memref<2x8x200x32xf32, #tpu.memory_space<vmem>> -> memref<1x1x72x32xf32, #tpu.memory_space<vmem>>
    %dma_start3A_279 = tpu.memref_squeeze %dma_start3A_278 : memref<1x1x72x32xf32, #tpu.memory_space<vmem>> -> memref<72x32xf32, #tpu.memory_space<vmem>>
    %dma_start3A_280 = arith.constant 128 : i32
    %dma_start3A_281 = tpu.memref_slice %arg5[%add3A_273, %dma_start3A_280] : memref<128x200xi32, #tpu.memory_space<vmem>> -> memref<1x72xi32, #tpu.memory_space<vmem>>
    %dma_start3A_282 = tpu.memref_squeeze %dma_start3A_281 : memref<1x72xi32, #tpu.memory_space<vmem>> -> memref<72xi32, #tpu.memory_space<vmem>>
    %dma_start3A_283 = arith.constant 0 : i32
    %dma_start3A_284 = arith.constant 0 : i32
    %dma_start3A_285 = tpu.memref_slice %arg3[%dma_start3A_283, %dma_start3A_284] : memref<1000000x32xf32, #tpu.memory_space<hbm>> -> memref<1000000x32xf32, #tpu.memory_space<hbm>>
    tpu.enqueue_indirect_dma source(%dma_start3A_285 : memref<1000000x32xf32, #tpu.memory_space<hbm>>) target(%dma_start3A_279 : memref<72x32xf32, #tpu.memory_space<vmem>>) offsets(%dma_start3A_282 : memref<72xi32, #tpu.memory_space<vmem>>) semaphore(%arg8 : memref<!tpu.dma_semaphore, #tpu.memory_space<semaphore_mem>>)
    %add3A_286 = arith.constant 2 : i32
    %add3A_287 = arith.addi %multiple_of3A_229, %add3A_286 : i32
    %dma_start3A_288 = arith.constant 1 : i32
    %dma_start3A_289 = arith.constant 2 : i32
    %dma_start3A_290 = arith.constant 0 : i32
    %dma_start3A_291 = arith.constant 0 : i32
    %dma_start3A_292 = tpu.memref_slice %arg6[%dma_start3A_288, %dma_start3A_289, %dma_start3A_290, %dma_start3A_291] : memref<2x8x200x32xf32, #tpu.memory_space<vmem>> -> memref<1x1x128x32xf32, #tpu.memory_space<vmem>>
    %dma_start3A_293 = tpu.memref_squeeze %dma_start3A_292 : memref<1x1x128x32xf32, #tpu.memory_space<vmem>> -> memref<128x32xf32, #tpu.memory_space<vmem>>
    %dma_start3A_294 = arith.constant 0 : i32
    %dma_start3A_295 = tpu.memref_slice %arg5[%add3A_287, %dma_start3A_294] : memref<128x200xi32, #tpu.memory_space<vmem>> -> memref<1x128xi32, #tpu.memory_space<vmem>>
    %dma_start3A_296 = tpu.memref_squeeze %dma_start3A_295 : memref<1x128xi32, #tpu.memory_space<vmem>> -> memref<128xi32, #tpu.memory_space<vmem>>
    %dma_start3A_297 = arith.constant 0 : i32
    %dma_start3A_298 = arith.constant 0 : i32
    %dma_start3A_299 = tpu.memref_slice %arg3[%dma_start3A_297, %dma_start3A_298] : memref<1000000x32xf32, #tpu.memory_space<hbm>> -> memref<1000000x32xf32, #tpu.memory_space<hbm>>
    tpu.enqueue_indirect_dma source(%dma_start3A_299 : memref<1000000x32xf32, #tpu.memory_space<hbm>>) target(%dma_start3A_293 : memref<128x32xf32, #tpu.memory_space<vmem>>) offsets(%dma_start3A_296 : memref<128xi32, #tpu.memory_space<vmem>>) semaphore(%arg8 : memref<!tpu.dma_semaphore, #tpu.memory_space<semaphore_mem>>)
    %add3A_300 = arith.constant 2 : i32
    %add3A_301 = arith.addi %multiple_of3A_229, %add3A_300 : i32
    %dma_start3A_302 = arith.constant 1 : i32
    %dma_start3A_303 = arith.constant 2 : i32
    %dma_start3A_304 = arith.constant 128 : i32
    %dma_start3A_305 = arith.constant 0 : i32
    %dma_start3A_306 = tpu.memref_slice %arg6[%dma_start3A_302, %dma_start3A_303, %dma_start3A_304, %dma_start3A_305] : memref<2x8x200x32xf32, #tpu.memory_space<vmem>> -> memref<1x1x72x32xf32, #tpu.memory_space<vmem>>
    %dma_start3A_307 = tpu.memref_squeeze %dma_start3A_306 : memref<1x1x72x32xf32, #tpu.memory_space<vmem>> -> memref<72x32xf32, #tpu.memory_space<vmem>>
    %dma_start3A_308 = arith.constant 128 : i32
    %dma_start3A_309 = tpu.memref_slice %arg5[%add3A_301, %dma_start3A_308] : memref<128x200xi32, #tpu.memory_space<vmem>> -> memref<1x72xi32, #tpu.memory_space<vmem>>
    %dma_start3A_310 = tpu.memref_squeeze %dma_start3A_309 : memref<1x72xi32, #tpu.memory_space<vmem>> -> memref<72xi32, #tpu.memory_space<vmem>>
    %dma_start3A_311 = arith.constant 0 : i32
    %dma_start3A_312 = arith.constant 0 : i32
    %dma_start3A_313 = tpu.memref_slice %arg3[%dma_start3A_311, %dma_start3A_312] : memref<1000000x32xf32, #tpu.memory_space<hbm>> -> memref<1000000x32xf32, #tpu.memory_space<hbm>>
    tpu.enqueue_indirect_dma source(%dma_start3A_313 : memref<1000000x32xf32, #tpu.memory_space<hbm>>) target(%dma_start3A_307 : memref<72x32xf32, #tpu.memory_space<vmem>>) offsets(%dma_start3A_310 : memref<72xi32, #tpu.memory_space<vmem>>) semaphore(%arg8 : memref<!tpu.dma_semaphore, #tpu.memory_space<semaphore_mem>>)
    %add3A_314 = arith.constant 3 : i32
    %add3A_315 = arith.addi %multiple_of3A_229, %add3A_314 : i32
    %dma_start3A_316 = arith.constant 1 : i32
    %dma_start3A_317 = arith.constant 3 : i32
    %dma_start3A_318 = arith.constant 0 : i32
    %dma_start3A_319 = arith.constant 0 : i32
    %dma_start3A_320 = tpu.memref_slice %arg6[%dma_start3A_316, %dma_start3A_317, %dma_start3A_318, %dma_start3A_319] : memref<2x8x200x32xf32, #tpu.memory_space<vmem>> -> memref<1x1x128x32xf32, #tpu.memory_space<vmem>>
    %dma_start3A_321 = tpu.memref_squeeze %dma_start3A_320 : memref<1x1x128x32xf32, #tpu.memory_space<vmem>> -> memref<128x32xf32, #tpu.memory_space<vmem>>
    %dma_start3A_322 = arith.constant 0 : i32
    %dma_start3A_323 = tpu.memref_slice %arg5[%add3A_315, %dma_start3A_322] : memref<128x200xi32, #tpu.memory_space<vmem>> -> memref<1x128xi32, #tpu.memory_space<vmem>>
    %dma_start3A_324 = tpu.memref_squeeze %dma_start3A_323 : memref<1x128xi32, #tpu.memory_space<vmem>> -> memref<128xi32, #tpu.memory_space<vmem>>
    %dma_start3A_325 = arith.constant 0 : i32
    %dma_start3A_326 = arith.constant 0 : i32
    %dma_start3A_327 = tpu.memref_slice %arg3[%dma_start3A_325, %dma_start3A_326] : memref<1000000x32xf32, #tpu.memory_space<hbm>> -> memref<1000000x32xf32, #tpu.memory_space<hbm>>
    tpu.enqueue_indirect_dma source(%dma_start3A_327 : memref<1000000x32xf32, #tpu.memory_space<hbm>>) target(%dma_start3A_321 : memref<128x32xf32, #tpu.memory_space<vmem>>) offsets(%dma_start3A_324 : memref<128xi32, #tpu.memory_space<vmem>>) semaphore(%arg8 : memref<!tpu.dma_semaphore, #tpu.memory_space<semaphore_mem>>)
    %add3A_328 = arith.constant 3 : i32
    %add3A_329 = arith.addi %multiple_of3A_229, %add3A_328 : i32
    %dma_start3A_330 = arith.constant 1 : i32
    %dma_start3A_331 = arith.constant 3 : i32
    %dma_start3A_332 = arith.constant 128 : i32
    %dma_start3A_333 = arith.constant 0 : i32
    %dma_start3A_334 = tpu.memref_slice %arg6[%dma_start3A_330, %dma_start3A_331, %dma_start3A_332, %dma_start3A_333] : memref<2x8x200x32xf32, #tpu.memory_space<vmem>> -> memref<1x1x72x32xf32, #tpu.memory_space<vmem>>
    %dma_start3A_335 = tpu.memref_squeeze %dma_start3A_334 : memref<1x1x72x32xf32, #tpu.memory_space<vmem>> -> memref<72x32xf32, #tpu.memory_space<vmem>>
    %dma_start3A_336 = arith.constant 128 : i32
    %dma_start3A_337 = tpu.memref_slice %arg5[%add3A_329, %dma_start3A_336] : memref<128x200xi32, #tpu.memory_space<vmem>> -> memref<1x72xi32, #tpu.memory_space<vmem>>
    %dma_start3A_338 = tpu.memref_squeeze %dma_start3A_337 : memref<1x72xi32, #tpu.memory_space<vmem>> -> memref<72xi32, #tpu.memory_space<vmem>>
    %dma_start3A_339 = arith.constant 0 : i32
    %dma_start3A_340 = arith.constant 0 : i32
    %dma_start3A_341 = tpu.memref_slice %arg3[%dma_start3A_339, %dma_start3A_340] : memref<1000000x32xf32, #tpu.memory_space<hbm>> -> memref<1000000x32xf32, #tpu.memory_space<hbm>>
    tpu.enqueue_indirect_dma source(%dma_start3A_341 : memref<1000000x32xf32, #tpu.memory_space<hbm>>) target(%dma_start3A_335 : memref<72x32xf32, #tpu.memory_space<vmem>>) offsets(%dma_start3A_338 : memref<72xi32, #tpu.memory_space<vmem>>) semaphore(%arg8 : memref<!tpu.dma_semaphore, #tpu.memory_space<semaphore_mem>>)
    %add3A_342 = arith.constant 4 : i32
    %add3A_343 = arith.addi %multiple_of3A_229, %add3A_342 : i32
    %dma_start3A_344 = arith.constant 1 : i32
    %dma_start3A_345 = arith.constant 4 : i32
    %dma_start3A_346 = arith.constant 0 : i32
    %dma_start3A_347 = arith.constant 0 : i32
    %dma_start3A_348 = tpu.memref_slice %arg6[%dma_start3A_344, %dma_start3A_345, %dma_start3A_346, %dma_start3A_347] : memref<2x8x200x32xf32, #tpu.memory_space<vmem>> -> memref<1x1x128x32xf32, #tpu.memory_space<vmem>>
    %dma_start3A_349 = tpu.memref_squeeze %dma_start3A_348 : memref<1x1x128x32xf32, #tpu.memory_space<vmem>> -> memref<128x32xf32, #tpu.memory_space<vmem>>
    %dma_start3A_350 = arith.constant 0 : i32
    %dma_start3A_351 = tpu.memref_slice %arg5[%add3A_343, %dma_start3A_350] : memref<128x200xi32, #tpu.memory_space<vmem>> -> memref<1x128xi32, #tpu.memory_space<vmem>>
    %dma_start3A_352 = tpu.memref_squeeze %dma_start3A_351 : memref<1x128xi32, #tpu.memory_space<vmem>> -> memref<128xi32, #tpu.memory_space<vmem>>
    %dma_start3A_353 = arith.constant 0 : i32
    %dma_start3A_354 = arith.constant 0 : i32
    %dma_start3A_355 = tpu.memref_slice %arg3[%dma_start3A_353, %dma_start3A_354] : memref<1000000x32xf32, #tpu.memory_space<hbm>> -> memref<1000000x32xf32, #tpu.memory_space<hbm>>
    tpu.enqueue_indirect_dma source(%dma_start3A_355 : memref<1000000x32xf32, #tpu.memory_space<hbm>>) target(%dma_start3A_349 : memref<128x32xf32, #tpu.memory_space<vmem>>) offsets(%dma_start3A_352 : memref<128xi32, #tpu.memory_space<vmem>>) semaphore(%arg8 : memref<!tpu.dma_semaphore, #tpu.memory_space<semaphore_mem>>)
    %add3A_356 = arith.constant 4 : i32
    %add3A_357 = arith.addi %multiple_of3A_229, %add3A_356 : i32
    %dma_start3A_358 = arith.constant 1 : i32
    %dma_start3A_359 = arith.constant 4 : i32
    %dma_start3A_360 = arith.constant 128 : i32
    %dma_start3A_361 = arith.constant 0 : i32
    %dma_start3A_362 = tpu.memref_slice %arg6[%dma_start3A_358, %dma_start3A_359, %dma_start3A_360, %dma_start3A_361] : memref<2x8x200x32xf32, #tpu.memory_space<vmem>> -> memref<1x1x72x32xf32, #tpu.memory_space<vmem>>
    %dma_start3A_363 = tpu.memref_squeeze %dma_start3A_362 : memref<1x1x72x32xf32, #tpu.memory_space<vmem>> -> memref<72x32xf32, #tpu.memory_space<vmem>>
    %dma_start3A_364 = arith.constant 128 : i32
    %dma_start3A_365 = tpu.memref_slice %arg5[%add3A_357, %dma_start3A_364] : memref<128x200xi32, #tpu.memory_space<vmem>> -> memref<1x72xi32, #tpu.memory_space<vmem>>
    %dma_start3A_366 = tpu.memref_squeeze %dma_start3A_365 : memref<1x72xi32, #tpu.memory_space<vmem>> -> memref<72xi32, #tpu.memory_space<vmem>>
    %dma_start3A_367 = arith.constant 0 : i32
    %dma_start3A_368 = arith.constant 0 : i32
    %dma_start3A_369 = tpu.memref_slice %arg3[%dma_start3A_367, %dma_start3A_368] : memref<1000000x32xf32, #tpu.memory_space<hbm>> -> memref<1000000x32xf32, #tpu.memory_space<hbm>>
    tpu.enqueue_indirect_dma source(%dma_start3A_369 : memref<1000000x32xf32, #tpu.memory_space<hbm>>) target(%dma_start3A_363 : memref<72x32xf32, #tpu.memory_space<vmem>>) offsets(%dma_start3A_366 : memref<72xi32, #tpu.memory_space<vmem>>) semaphore(%arg8 : memref<!tpu.dma_semaphore, #tpu.memory_space<semaphore_mem>>)
    %add3A_370 = arith.constant 5 : i32
    %add3A_371 = arith.addi %multiple_of3A_229, %add3A_370 : i32
    %dma_start3A_372 = arith.constant 1 : i32
    %dma_start3A_373 = arith.constant 5 : i32
    %dma_start3A_374 = arith.constant 0 : i32
    %dma_start3A_375 = arith.constant 0 : i32
    %dma_start3A_376 = tpu.memref_slice %arg6[%dma_start3A_372, %dma_start3A_373, %dma_start3A_374, %dma_start3A_375] : memref<2x8x200x32xf32, #tpu.memory_space<vmem>> -> memref<1x1x128x32xf32, #tpu.memory_space<vmem>>
    %dma_start3A_377 = tpu.memref_squeeze %dma_start3A_376 : memref<1x1x128x32xf32, #tpu.memory_space<vmem>> -> memref<128x32xf32, #tpu.memory_space<vmem>>
    %dma_start3A_378 = arith.constant 0 : i32
    %dma_start3A_379 = tpu.memref_slice %arg5[%add3A_371, %dma_start3A_378] : memref<128x200xi32, #tpu.memory_space<vmem>> -> memref<1x128xi32, #tpu.memory_space<vmem>>
    %dma_start3A_380 = tpu.memref_squeeze %dma_start3A_379 : memref<1x128xi32, #tpu.memory_space<vmem>> -> memref<128xi32, #tpu.memory_space<vmem>>
    %dma_start3A_381 = arith.constant 0 : i32
    %dma_start3A_382 = arith.constant 0 : i32
    %dma_start3A_383 = tpu.memref_slice %arg3[%dma_start3A_381, %dma_start3A_382] : memref<1000000x32xf32, #tpu.memory_space<hbm>> -> memref<1000000x32xf32, #tpu.memory_space<hbm>>
    tpu.enqueue_indirect_dma source(%dma_start3A_383 : memref<1000000x32xf32, #tpu.memory_space<hbm>>) target(%dma_start3A_377 : memref<128x32xf32, #tpu.memory_space<vmem>>) offsets(%dma_start3A_380 : memref<128xi32, #tpu.memory_space<vmem>>) semaphore(%arg8 : memref<!tpu.dma_semaphore, #tpu.memory_space<semaphore_mem>>)
    %add3A_384 = arith.constant 5 : i32
    %add3A_385 = arith.addi %multiple_of3A_229, %add3A_384 : i32
    %dma_start3A_386 = arith.constant 1 : i32
    %dma_start3A_387 = arith.constant 5 : i32
    %dma_start3A_388 = arith.constant 128 : i32
    %dma_start3A_389 = arith.constant 0 : i32
    %dma_start3A_390 = tpu.memref_slice %arg6[%dma_start3A_386, %dma_start3A_387, %dma_start3A_388, %dma_start3A_389] : memref<2x8x200x32xf32, #tpu.memory_space<vmem>> -> memref<1x1x72x32xf32, #tpu.memory_space<vmem>>
    %dma_start3A_391 = tpu.memref_squeeze %dma_start3A_390 : memref<1x1x72x32xf32, #tpu.memory_space<vmem>> -> memref<72x32xf32, #tpu.memory_space<vmem>>
    %dma_start3A_392 = arith.constant 128 : i32
    %dma_start3A_393 = tpu.memref_slice %arg5[%add3A_385, %dma_start3A_392] : memref<128x200xi32, #tpu.memory_space<vmem>> -> memref<1x72xi32, #tpu.memory_space<vmem>>
    %dma_start3A_394 = tpu.memref_squeeze %dma_start3A_393 : memref<1x72xi32, #tpu.memory_space<vmem>> -> memref<72xi32, #tpu.memory_space<vmem>>
    %dma_start3A_395 = arith.constant 0 : i32
    %dma_start3A_396 = arith.constant 0 : i32
    %dma_start3A_397 = tpu.memref_slice %arg3[%dma_start3A_395, %dma_start3A_396] : memref<1000000x32xf32, #tpu.memory_space<hbm>> -> memref<1000000x32xf32, #tpu.memory_space<hbm>>
    tpu.enqueue_indirect_dma source(%dma_start3A_397 : memref<1000000x32xf32, #tpu.memory_space<hbm>>) target(%dma_start3A_391 : memref<72x32xf32, #tpu.memory_space<vmem>>) offsets(%dma_start3A_394 : memref<72xi32, #tpu.memory_space<vmem>>) semaphore(%arg8 : memref<!tpu.dma_semaphore, #tpu.memory_space<semaphore_mem>>)
    %add3A_398 = arith.constant 6 : i32
    %add3A_399 = arith.addi %multiple_of3A_229, %add3A_398 : i32
    %dma_start3A_400 = arith.constant 1 : i32
    %dma_start3A_401 = arith.constant 6 : i32
    %dma_start3A_402 = arith.constant 0 : i32
    %dma_start3A_403 = arith.constant 0 : i32
    %dma_start3A_404 = tpu.memref_slice %arg6[%dma_start3A_400, %dma_start3A_401, %dma_start3A_402, %dma_start3A_403] : memref<2x8x200x32xf32, #tpu.memory_space<vmem>> -> memref<1x1x128x32xf32, #tpu.memory_space<vmem>>
    %dma_start3A_405 = tpu.memref_squeeze %dma_start3A_404 : memref<1x1x128x32xf32, #tpu.memory_space<vmem>> -> memref<128x32xf32, #tpu.memory_space<vmem>>
    %dma_start3A_406 = arith.constant 0 : i32
    %dma_start3A_407 = tpu.memref_slice %arg5[%add3A_399, %dma_start3A_406] : memref<128x200xi32, #tpu.memory_space<vmem>> -> memref<1x128xi32, #tpu.memory_space<vmem>>
    %dma_start3A_408 = tpu.memref_squeeze %dma_start3A_407 : memref<1x128xi32, #tpu.memory_space<vmem>> -> memref<128xi32, #tpu.memory_space<vmem>>
    %dma_start3A_409 = arith.constant 0 : i32
    %dma_start3A_410 = arith.constant 0 : i32
    %dma_start3A_411 = tpu.memref_slice %arg3[%dma_start3A_409, %dma_start3A_410] : memref<1000000x32xf32, #tpu.memory_space<hbm>> -> memref<1000000x32xf32, #tpu.memory_space<hbm>>
    tpu.enqueue_indirect_dma source(%dma_start3A_411 : memref<1000000x32xf32, #tpu.memory_space<hbm>>) target(%dma_start3A_405 : memref<128x32xf32, #tpu.memory_space<vmem>>) offsets(%dma_start3A_408 : memref<128xi32, #tpu.memory_space<vmem>>) semaphore(%arg8 : memref<!tpu.dma_semaphore, #tpu.memory_space<semaphore_mem>>)
    %add3A_412 = arith.constant 6 : i32
    %add3A_413 = arith.addi %multiple_of3A_229, %add3A_412 : i32
    %dma_start3A_414 = arith.constant 1 : i32
    %dma_start3A_415 = arith.constant 6 : i32
    %dma_start3A_416 = arith.constant 128 : i32
    %dma_start3A_417 = arith.constant 0 : i32
    %dma_start3A_418 = tpu.memref_slice %arg6[%dma_start3A_414, %dma_start3A_415, %dma_start3A_416, %dma_start3A_417] : memref<2x8x200x32xf32, #tpu.memory_space<vmem>> -> memref<1x1x72x32xf32, #tpu.memory_space<vmem>>
    %dma_start3A_419 = tpu.memref_squeeze %dma_start3A_418 : memref<1x1x72x32xf32, #tpu.memory_space<vmem>> -> memref<72x32xf32, #tpu.memory_space<vmem>>
    %dma_start3A_420 = arith.constant 128 : i32
    %dma_start3A_421 = tpu.memref_slice %arg5[%add3A_413, %dma_start3A_420] : memref<128x200xi32, #tpu.memory_space<vmem>> -> memref<1x72xi32, #tpu.memory_space<vmem>>
    %dma_start3A_422 = tpu.memref_squeeze %dma_start3A_421 : memref<1x72xi32, #tpu.memory_space<vmem>> -> memref<72xi32, #tpu.memory_space<vmem>>
    %dma_start3A_423 = arith.constant 0 : i32
    %dma_start3A_424 = arith.constant 0 : i32
    %dma_start3A_425 = tpu.memref_slice %arg3[%dma_start3A_423, %dma_start3A_424] : memref<1000000x32xf32, #tpu.memory_space<hbm>> -> memref<1000000x32xf32, #tpu.memory_space<hbm>>
    tpu.enqueue_indirect_dma source(%dma_start3A_425 : memref<1000000x32xf32, #tpu.memory_space<hbm>>) target(%dma_start3A_419 : memref<72x32xf32, #tpu.memory_space<vmem>>) offsets(%dma_start3A_422 : memref<72xi32, #tpu.memory_space<vmem>>) semaphore(%arg8 : memref<!tpu.dma_semaphore, #tpu.memory_space<semaphore_mem>>)
    %add3A_426 = arith.constant 7 : i32
    %add3A_427 = arith.addi %multiple_of3A_229, %add3A_426 : i32
    %dma_start3A_428 = arith.constant 1 : i32
    %dma_start3A_429 = arith.constant 7 : i32
    %dma_start3A_430 = arith.constant 0 : i32
    %dma_start3A_431 = arith.constant 0 : i32
    %dma_start3A_432 = tpu.memref_slice %arg6[%dma_start3A_428, %dma_start3A_429, %dma_start3A_430, %dma_start3A_431] : memref<2x8x200x32xf32, #tpu.memory_space<vmem>> -> memref<1x1x128x32xf32, #tpu.memory_space<vmem>>
    %dma_start3A_433 = tpu.memref_squeeze %dma_start3A_432 : memref<1x1x128x32xf32, #tpu.memory_space<vmem>> -> memref<128x32xf32, #tpu.memory_space<vmem>>
    %dma_start3A_434 = arith.constant 0 : i32
    %dma_start3A_435 = tpu.memref_slice %arg5[%add3A_427, %dma_start3A_434] : memref<128x200xi32, #tpu.memory_space<vmem>> -> memref<1x128xi32, #tpu.memory_space<vmem>>
    %dma_start3A_436 = tpu.memref_squeeze %dma_start3A_435 : memref<1x128xi32, #tpu.memory_space<vmem>> -> memref<128xi32, #tpu.memory_space<vmem>>
    %dma_start3A_437 = arith.constant 0 : i32
    %dma_start3A_438 = arith.constant 0 : i32
    %dma_start3A_439 = tpu.memref_slice %arg3[%dma_start3A_437, %dma_start3A_438] : memref<1000000x32xf32, #tpu.memory_space<hbm>> -> memref<1000000x32xf32, #tpu.memory_space<hbm>>
    tpu.enqueue_indirect_dma source(%dma_start3A_439 : memref<1000000x32xf32, #tpu.memory_space<hbm>>) target(%dma_start3A_433 : memref<128x32xf32, #tpu.memory_space<vmem>>) offsets(%dma_start3A_436 : memref<128xi32, #tpu.memory_space<vmem>>) semaphore(%arg8 : memref<!tpu.dma_semaphore, #tpu.memory_space<semaphore_mem>>)
    %add3A_440 = arith.constant 7 : i32
    %add3A_441 = arith.addi %multiple_of3A_229, %add3A_440 : i32
    %dma_start3A_442 = arith.constant 1 : i32
    %dma_start3A_443 = arith.constant 7 : i32
    %dma_start3A_444 = arith.constant 128 : i32
    %dma_start3A_445 = arith.constant 0 : i32
    %dma_start3A_446 = tpu.memref_slice %arg6[%dma_start3A_442, %dma_start3A_443, %dma_start3A_444, %dma_start3A_445] : memref<2x8x200x32xf32, #tpu.memory_space<vmem>> -> memref<1x1x72x32xf32, #tpu.memory_space<vmem>>
    %dma_start3A_447 = tpu.memref_squeeze %dma_start3A_446 : memref<1x1x72x32xf32, #tpu.memory_space<vmem>> -> memref<72x32xf32, #tpu.memory_space<vmem>>
    %dma_start3A_448 = arith.constant 128 : i32
    %dma_start3A_449 = tpu.memref_slice %arg5[%add3A_441, %dma_start3A_448] : memref<128x200xi32, #tpu.memory_space<vmem>> -> memref<1x72xi32, #tpu.memory_space<vmem>>
    %dma_start3A_450 = tpu.memref_squeeze %dma_start3A_449 : memref<1x72xi32, #tpu.memory_space<vmem>> -> memref<72xi32, #tpu.memory_space<vmem>>
    %dma_start3A_451 = arith.constant 0 : i32
    %dma_start3A_452 = arith.constant 0 : i32
    %dma_start3A_453 = tpu.memref_slice %arg3[%dma_start3A_451, %dma_start3A_452] : memref<1000000x32xf32, #tpu.memory_space<hbm>> -> memref<1000000x32xf32, #tpu.memory_space<hbm>>
    tpu.enqueue_indirect_dma source(%dma_start3A_453 : memref<1000000x32xf32, #tpu.memory_space<hbm>>) target(%dma_start3A_447 : memref<72x32xf32, #tpu.memory_space<vmem>>) offsets(%dma_start3A_450 : memref<72xi32, #tpu.memory_space<vmem>>) semaphore(%arg8 : memref<!tpu.dma_semaphore, #tpu.memory_space<semaphore_mem>>)
    %scan3A = arith.constant 0 : i32
    %scan3A_454 = arith.constant 0 : i32
    %scan3A_455 = arith.constant 8 : i32
    %scan3A_456 = arith.addi %scan3A_454, %scan3A_455 : i32
    %scan3A_457 = arith.constant 1 : i32
    scf.for %scan3A_496 = %scan3A_454 to %scan3A_456 step %scan3A_457  : i32 {
      %mul3A_497 = arith.constant 2 : i32
      %mul3A_498 = arith.muli %scan3A_496, %mul3A_497 : i32
      %add3A_499 = arith.constant 0 : i32
      %add3A_500 = arith.addi %mul3A_498, %add3A_499 : i32
      %lt3A = arith.constant 16 : i32
      %lt3A_501 = arith.cmpi slt, %add3A_500, %lt3A : i32
      %convert_element_type3A = arith.extui %lt3A_501 : i1 to i32
      %cond3A = arith.constant 0 : i32
      %cond3A_502 = arith.cmpi ne, %convert_element_type3A, %cond3A : i32
      scf.if %cond3A_502 {
        %dma_wait3A_512 = arith.constant 0 : i32
        %dma_wait3A_513 = arith.constant 0 : i32
        %dma_wait3A_514 = arith.constant 0 : i32
        %dma_wait3A_515 = arith.constant 0 : i32
        %dma_wait3A_516 = tpu.memref_slice %arg6[%dma_wait3A_512, %dma_wait3A_513, %dma_wait3A_514, %dma_wait3A_515] : memref<2x8x200x32xf32, #tpu.memory_space<vmem>> -> memref<1x8x200x32xf32, #tpu.memory_space<vmem>>
        %dma_wait3A_517 = tpu.memref_squeeze %dma_wait3A_516 : memref<1x8x200x32xf32, #tpu.memory_space<vmem>> -> memref<8x200x32xf32, #tpu.memory_space<vmem>>
        %dma_wait3A_518 = arith.constant 0 : i32
        %dma_wait3A_519 = arith.constant 0 : i32
        %dma_wait3A_520 = arith.constant 0 : i32
        %dma_wait3A_521 = tpu.memref_slice %arg4[%dma_wait3A_518, %dma_wait3A_519, %dma_wait3A_520] : memref<4096x200x32xf32, #tpu.memory_space<hbm>> -> memref<8x200x32xf32, #tpu.memory_space<hbm>>
        %dma_wait3A_522 = arith.constant 0 : i32
        %dma_wait3A_523 = arith.constant 0 : i32
        %dma_wait3A_524 = arith.constant 0 : i32
        %dma_wait3A_525 = tpu.memref_slice %arg6[%dma_wait3A_512, %dma_wait3A_522, %dma_wait3A_523, %dma_wait3A_524] : memref<2x8x200x32xf32, #tpu.memory_space<vmem>> -> memref<1x8x200x32xf32, #tpu.memory_space<vmem>>
        %dma_wait3A_526 = tpu.memref_squeeze %dma_wait3A_525 : memref<1x8x200x32xf32, #tpu.memory_space<vmem>> -> memref<8x200x32xf32, #tpu.memory_space<vmem>>
        %dma_wait3A_527 = arith.constant 0 : i32
        %dma_wait3A_528 = arith.constant 0 : i32
        %dma_wait3A_529 = arith.constant 0 : i32
        %dma_wait3A_530 = tpu.memref_slice %arg4[%dma_wait3A_527, %dma_wait3A_528, %dma_wait3A_529] : memref<4096x200x32xf32, #tpu.memory_space<hbm>> -> memref<8x200x32xf32, #tpu.memory_space<hbm>>
        tpu.wait_dma2 semaphore(%arg7 : memref<!tpu.dma_semaphore, #tpu.memory_space<semaphore_mem>>) src(%dma_wait3A_530 : memref<8x200x32xf32, #tpu.memory_space<hbm>>) dst(%dma_wait3A_526 : memref<8x200x32xf32, #tpu.memory_space<vmem>>)
        %mul3A_531 = arith.constant 8 : i32
        %mul3A_532 = arith.muli %add3A_500, %mul3A_531 : i32
        %add3A_533 = arith.addi %multiple_of3A, %mul3A_532 : i32
        %multiple_of3A_534 = tpu.assume_multiple %add3A_533, 8 : i32
        %dma_start3A_535 = arith.constant 0 : i32
        %dma_start3A_536 = arith.constant 0 : i32
        %dma_start3A_537 = arith.constant 0 : i32
        %dma_start3A_538 = arith.constant 0 : i32
        %dma_start3A_539 = tpu.memref_slice %arg6[%dma_start3A_535, %dma_start3A_536, %dma_start3A_537, %dma_start3A_538] : memref<2x8x200x32xf32, #tpu.memory_space<vmem>> -> memref<1x8x200x32xf32, #tpu.memory_space<vmem>>
        %dma_start3A_540 = tpu.memref_squeeze %dma_start3A_539 : memref<1x8x200x32xf32, #tpu.memory_space<vmem>> -> memref<8x200x32xf32, #tpu.memory_space<vmem>>
        %dma_start3A_541 = arith.constant 0 : i32
        %dma_start3A_542 = arith.constant 0 : i32
        %dma_start3A_543 = tpu.memref_slice %arg4[%multiple_of3A_534, %dma_start3A_541, %dma_start3A_542] : memref<4096x200x32xf32, #tpu.memory_space<hbm>> -> memref<8x200x32xf32, #tpu.memory_space<hbm>>
        %dma_start3A_544 = arith.constant 0 : i32
        %dma_start3A_545 = arith.constant 0 : i32
        %dma_start3A_546 = tpu.memref_slice %arg4[%multiple_of3A_534, %dma_start3A_544, %dma_start3A_545] : memref<4096x200x32xf32, #tpu.memory_space<hbm>> -> memref<8x200x32xf32, #tpu.memory_space<hbm>>
        %dma_start3A_547 = arith.constant 0 : i32
        %dma_start3A_548 = arith.constant 0 : i32
        %dma_start3A_549 = arith.constant 0 : i32
        %dma_start3A_550 = tpu.memref_slice %arg6[%dma_start3A_535, %dma_start3A_547, %dma_start3A_548, %dma_start3A_549] : memref<2x8x200x32xf32, #tpu.memory_space<vmem>> -> memref<1x8x200x32xf32, #tpu.memory_space<vmem>>
        %dma_start3A_551 = tpu.memref_squeeze %dma_start3A_550 : memref<1x8x200x32xf32, #tpu.memory_space<vmem>> -> memref<8x200x32xf32, #tpu.memory_space<vmem>>
        tpu.enqueue_dma source(%dma_start3A_551 : memref<8x200x32xf32, #tpu.memory_space<vmem>>) target(%dma_start3A_546 : memref<8x200x32xf32, #tpu.memory_space<hbm>>) target_semaphore(%arg9 : memref<!tpu.dma_semaphore, #tpu.memory_space<semaphore_mem>>)
        %add3A_552 = arith.constant 2 : i32
        %add3A_553 = arith.addi %add3A_500, %add3A_552 : i32
        %lt3A_554 = arith.constant 16 : i32
        %lt3A_555 = arith.cmpi slt, %add3A_553, %lt3A_554 : i32
        %convert_element_type3A_556 = arith.extui %lt3A_555 : i1 to i32
        %cond3A_557 = arith.constant 0 : i32
        %cond3A_558 = arith.cmpi ne, %convert_element_type3A_556, %cond3A_557 : i32
        scf.if %cond3A_558 {
          %dma_wait3A_559 = arith.constant 0 : i32
          %dma_wait3A_560 = arith.constant 0 : i32
          %dma_wait3A_561 = arith.constant 0 : i32
          %dma_wait3A_562 = arith.constant 0 : i32
          %dma_wait3A_563 = tpu.memref_slice %arg6[%dma_wait3A_559, %dma_wait3A_560, %dma_wait3A_561, %dma_wait3A_562] : memref<2x8x200x32xf32, #tpu.memory_space<vmem>> -> memref<1x8x200x32xf32, #tpu.memory_space<vmem>>
          %dma_wait3A_564 = tpu.memref_squeeze %dma_wait3A_563 : memref<1x8x200x32xf32, #tpu.memory_space<vmem>> -> memref<8x200x32xf32, #tpu.memory_space<vmem>>
          %dma_wait3A_565 = arith.constant 0 : i32
          %dma_wait3A_566 = arith.constant 0 : i32
          %dma_wait3A_567 = arith.constant 0 : i32
          %dma_wait3A_568 = tpu.memref_slice %arg4[%dma_wait3A_565, %dma_wait3A_566, %dma_wait3A_567] : memref<4096x200x32xf32, #tpu.memory_space<hbm>> -> memref<8x200x32xf32, #tpu.memory_space<hbm>>
          %dma_wait3A_569 = arith.constant 0 : i32
          %dma_wait3A_570 = arith.constant 0 : i32
          %dma_wait3A_571 = arith.constant 0 : i32
          %dma_wait3A_572 = tpu.memref_slice %arg6[%dma_wait3A_559, %dma_wait3A_569, %dma_wait3A_570, %dma_wait3A_571] : memref<2x8x200x32xf32, #tpu.memory_space<vmem>> -> memref<1x8x200x32xf32, #tpu.memory_space<vmem>>
          %dma_wait3A_573 = tpu.memref_squeeze %dma_wait3A_572 : memref<1x8x200x32xf32, #tpu.memory_space<vmem>> -> memref<8x200x32xf32, #tpu.memory_space<vmem>>
          %dma_wait3A_574 = arith.constant 0 : i32
          %dma_wait3A_575 = arith.constant 0 : i32
          %dma_wait3A_576 = arith.constant 0 : i32
          %dma_wait3A_577 = tpu.memref_slice %arg4[%dma_wait3A_574, %dma_wait3A_575, %dma_wait3A_576] : memref<4096x200x32xf32, #tpu.memory_space<hbm>> -> memref<8x200x32xf32, #tpu.memory_space<hbm>>
          tpu.wait_dma2 semaphore(%arg9 : memref<!tpu.dma_semaphore, #tpu.memory_space<semaphore_mem>>) src(%dma_wait3A_577 : memref<8x200x32xf32, #tpu.memory_space<hbm>>) dst(%dma_wait3A_573 : memref<8x200x32xf32, #tpu.memory_space<vmem>>)
          %add3A_578 = arith.constant 2 : i32
          %add3A_579 = arith.addi %add3A_500, %add3A_578 : i32
          %mul3A_580 = arith.constant 8 : i32
          %mul3A_581 = arith.muli %add3A_579, %mul3A_580 : i32
          %multiple_of3A_582 = tpu.assume_multiple %mul3A_581, 8 : i32
          %add3A_583 = arith.constant 0 : i32
          %add3A_584 = arith.addi %multiple_of3A_582, %add3A_583 : i32
          %dma_start3A_585 = arith.constant 0 : i32
          %dma_start3A_586 = arith.constant 0 : i32
          %dma_start3A_587 = arith.constant 0 : i32
          %dma_start3A_588 = arith.constant 0 : i32
          %dma_start3A_589 = tpu.memref_slice %arg6[%dma_start3A_585, %dma_start3A_586, %dma_start3A_587, %dma_start3A_588] : memref<2x8x200x32xf32, #tpu.memory_space<vmem>> -> memref<1x1x128x32xf32, #tpu.memory_space<vmem>>
          %dma_start3A_590 = tpu.memref_squeeze %dma_start3A_589 : memref<1x1x128x32xf32, #tpu.memory_space<vmem>> -> memref<128x32xf32, #tpu.memory_space<vmem>>
          %dma_start3A_591 = arith.constant 0 : i32
          %dma_start3A_592 = tpu.memref_slice %arg5[%add3A_584, %dma_start3A_591] : memref<128x200xi32, #tpu.memory_space<vmem>> -> memref<1x128xi32, #tpu.memory_space<vmem>>
          %dma_start3A_593 = tpu.memref_squeeze %dma_start3A_592 : memref<1x128xi32, #tpu.memory_space<vmem>> -> memref<128xi32, #tpu.memory_space<vmem>>
          %dma_start3A_594 = arith.constant 0 : i32
          %dma_start3A_595 = arith.constant 0 : i32
          %dma_start3A_596 = tpu.memref_slice %arg3[%dma_start3A_594, %dma_start3A_595] : memref<1000000x32xf32, #tpu.memory_space<hbm>> -> memref<1000000x32xf32, #tpu.memory_space<hbm>>
          tpu.enqueue_indirect_dma source(%dma_start3A_596 : memref<1000000x32xf32, #tpu.memory_space<hbm>>) target(%dma_start3A_590 : memref<128x32xf32, #tpu.memory_space<vmem>>) offsets(%dma_start3A_593 : memref<128xi32, #tpu.memory_space<vmem>>) semaphore(%arg7 : memref<!tpu.dma_semaphore, #tpu.memory_space<semaphore_mem>>)
          %add3A_597 = arith.constant 0 : i32
          %add3A_598 = arith.addi %multiple_of3A_582, %add3A_597 : i32
          %dma_start3A_599 = arith.constant 0 : i32
          %dma_start3A_600 = arith.constant 0 : i32
          %dma_start3A_601 = arith.constant 128 : i32
          %dma_start3A_602 = arith.constant 0 : i32
          %dma_start3A_603 = tpu.memref_slice %arg6[%dma_start3A_599, %dma_start3A_600, %dma_start3A_601, %dma_start3A_602] : memref<2x8x200x32xf32, #tpu.memory_space<vmem>> -> memref<1x1x72x32xf32, #tpu.memory_space<vmem>>
          %dma_start3A_604 = tpu.memref_squeeze %dma_start3A_603 : memref<1x1x72x32xf32, #tpu.memory_space<vmem>> -> memref<72x32xf32, #tpu.memory_space<vmem>>
          %dma_start3A_605 = arith.constant 128 : i32
          %dma_start3A_606 = tpu.memref_slice %arg5[%add3A_598, %dma_start3A_605] : memref<128x200xi32, #tpu.memory_space<vmem>> -> memref<1x72xi32, #tpu.memory_space<vmem>>
          %dma_start3A_607 = tpu.memref_squeeze %dma_start3A_606 : memref<1x72xi32, #tpu.memory_space<vmem>> -> memref<72xi32, #tpu.memory_space<vmem>>
          %dma_start3A_608 = arith.constant 0 : i32
          %dma_start3A_609 = arith.constant 0 : i32
          %dma_start3A_610 = tpu.memref_slice %arg3[%dma_start3A_608, %dma_start3A_609] : memref<1000000x32xf32, #tpu.memory_space<hbm>> -> memref<1000000x32xf32, #tpu.memory_space<hbm>>
          tpu.enqueue_indirect_dma source(%dma_start3A_610 : memref<1000000x32xf32, #tpu.memory_space<hbm>>) target(%dma_start3A_604 : memref<72x32xf32, #tpu.memory_space<vmem>>) offsets(%dma_start3A_607 : memref<72xi32, #tpu.memory_space<vmem>>) semaphore(%arg7 : memref<!tpu.dma_semaphore, #tpu.memory_space<semaphore_mem>>)
          %add3A_611 = arith.constant 1 : i32
          %add3A_612 = arith.addi %multiple_of3A_582, %add3A_611 : i32
          %dma_start3A_613 = arith.constant 0 : i32
          %dma_start3A_614 = arith.constant 1 : i32
          %dma_start3A_615 = arith.constant 0 : i32
          %dma_start3A_616 = arith.constant 0 : i32
          %dma_start3A_617 = tpu.memref_slice %arg6[%dma_start3A_613, %dma_start3A_614, %dma_start3A_615, %dma_start3A_616] : memref<2x8x200x32xf32, #tpu.memory_space<vmem>> -> memref<1x1x128x32xf32, #tpu.memory_space<vmem>>
          %dma_start3A_618 = tpu.memref_squeeze %dma_start3A_617 : memref<1x1x128x32xf32, #tpu.memory_space<vmem>> -> memref<128x32xf32, #tpu.memory_space<vmem>>
          %dma_start3A_619 = arith.constant 0 : i32
          %dma_start3A_620 = tpu.memref_slice %arg5[%add3A_612, %dma_start3A_619] : memref<128x200xi32, #tpu.memory_space<vmem>> -> memref<1x128xi32, #tpu.memory_space<vmem>>
          %dma_start3A_621 = tpu.memref_squeeze %dma_start3A_620 : memref<1x128xi32, #tpu.memory_space<vmem>> -> memref<128xi32, #tpu.memory_space<vmem>>
          %dma_start3A_622 = arith.constant 0 : i32
          %dma_start3A_623 = arith.constant 0 : i32
          %dma_start3A_624 = tpu.memref_slice %arg3[%dma_start3A_622, %dma_start3A_623] : memref<1000000x32xf32, #tpu.memory_space<hbm>> -> memref<1000000x32xf32, #tpu.memory_space<hbm>>
          tpu.enqueue_indirect_dma source(%dma_start3A_624 : memref<1000000x32xf32, #tpu.memory_space<hbm>>) target(%dma_start3A_618 : memref<128x32xf32, #tpu.memory_space<vmem>>) offsets(%dma_start3A_621 : memref<128xi32, #tpu.memory_space<vmem>>) semaphore(%arg7 : memref<!tpu.dma_semaphore, #tpu.memory_space<semaphore_mem>>)
          %add3A_625 = arith.constant 1 : i32
          %add3A_626 = arith.addi %multiple_of3A_582, %add3A_625 : i32
          %dma_start3A_627 = arith.constant 0 : i32
          %dma_start3A_628 = arith.constant 1 : i32
          %dma_start3A_629 = arith.constant 128 : i32
          %dma_start3A_630 = arith.constant 0 : i32
          %dma_start3A_631 = tpu.memref_slice %arg6[%dma_start3A_627, %dma_start3A_628, %dma_start3A_629, %dma_start3A_630] : memref<2x8x200x32xf32, #tpu.memory_space<vmem>> -> memref<1x1x72x32xf32, #tpu.memory_space<vmem>>
          %dma_start3A_632 = tpu.memref_squeeze %dma_start3A_631 : memref<1x1x72x32xf32, #tpu.memory_space<vmem>> -> memref<72x32xf32, #tpu.memory_space<vmem>>
          %dma_start3A_633 = arith.constant 128 : i32
          %dma_start3A_634 = tpu.memref_slice %arg5[%add3A_626, %dma_start3A_633] : memref<128x200xi32, #tpu.memory_space<vmem>> -> memref<1x72xi32, #tpu.memory_space<vmem>>
          %dma_start3A_635 = tpu.memref_squeeze %dma_start3A_634 : memref<1x72xi32, #tpu.memory_space<vmem>> -> memref<72xi32, #tpu.memory_space<vmem>>
          %dma_start3A_636 = arith.constant 0 : i32
          %dma_start3A_637 = arith.constant 0 : i32
          %dma_start3A_638 = tpu.memref_slice %arg3[%dma_start3A_636, %dma_start3A_637] : memref<1000000x32xf32, #tpu.memory_space<hbm>> -> memref<1000000x32xf32, #tpu.memory_space<hbm>>
          tpu.enqueue_indirect_dma source(%dma_start3A_638 : memref<1000000x32xf32, #tpu.memory_space<hbm>>) target(%dma_start3A_632 : memref<72x32xf32, #tpu.memory_space<vmem>>) offsets(%dma_start3A_635 : memref<72xi32, #tpu.memory_space<vmem>>) semaphore(%arg7 : memref<!tpu.dma_semaphore, #tpu.memory_space<semaphore_mem>>)
          %add3A_639 = arith.constant 2 : i32
          %add3A_640 = arith.addi %multiple_of3A_582, %add3A_639 : i32
          %dma_start3A_641 = arith.constant 0 : i32
          %dma_start3A_642 = arith.constant 2 : i32
          %dma_start3A_643 = arith.constant 0 : i32
          %dma_start3A_644 = arith.constant 0 : i32
          %dma_start3A_645 = tpu.memref_slice %arg6[%dma_start3A_641, %dma_start3A_642, %dma_start3A_643, %dma_start3A_644] : memref<2x8x200x32xf32, #tpu.memory_space<vmem>> -> memref<1x1x128x32xf32, #tpu.memory_space<vmem>>
          %dma_start3A_646 = tpu.memref_squeeze %dma_start3A_645 : memref<1x1x128x32xf32, #tpu.memory_space<vmem>> -> memref<128x32xf32, #tpu.memory_space<vmem>>
          %dma_start3A_647 = arith.constant 0 : i32
          %dma_start3A_648 = tpu.memref_slice %arg5[%add3A_640, %dma_start3A_647] : memref<128x200xi32, #tpu.memory_space<vmem>> -> memref<1x128xi32, #tpu.memory_space<vmem>>
          %dma_start3A_649 = tpu.memref_squeeze %dma_start3A_648 : memref<1x128xi32, #tpu.memory_space<vmem>> -> memref<128xi32, #tpu.memory_space<vmem>>
          %dma_start3A_650 = arith.constant 0 : i32
          %dma_start3A_651 = arith.constant 0 : i32
          %dma_start3A_652 = tpu.memref_slice %arg3[%dma_start3A_650, %dma_start3A_651] : memref<1000000x32xf32, #tpu.memory_space<hbm>> -> memref<1000000x32xf32, #tpu.memory_space<hbm>>
          tpu.enqueue_indirect_dma source(%dma_start3A_652 : memref<1000000x32xf32, #tpu.memory_space<hbm>>) target(%dma_start3A_646 : memref<128x32xf32, #tpu.memory_space<vmem>>) offsets(%dma_start3A_649 : memref<128xi32, #tpu.memory_space<vmem>>) semaphore(%arg7 : memref<!tpu.dma_semaphore, #tpu.memory_space<semaphore_mem>>)
          %add3A_653 = arith.constant 2 : i32
          %add3A_654 = arith.addi %multiple_of3A_582, %add3A_653 : i32
          %dma_start3A_655 = arith.constant 0 : i32
          %dma_start3A_656 = arith.constant 2 : i32
          %dma_start3A_657 = arith.constant 128 : i32
          %dma_start3A_658 = arith.constant 0 : i32
          %dma_start3A_659 = tpu.memref_slice %arg6[%dma_start3A_655, %dma_start3A_656, %dma_start3A_657, %dma_start3A_658] : memref<2x8x200x32xf32, #tpu.memory_space<vmem>> -> memref<1x1x72x32xf32, #tpu.memory_space<vmem>>
          %dma_start3A_660 = tpu.memref_squeeze %dma_start3A_659 : memref<1x1x72x32xf32, #tpu.memory_space<vmem>> -> memref<72x32xf32, #tpu.memory_space<vmem>>
          %dma_start3A_661 = arith.constant 128 : i32
          %dma_start3A_662 = tpu.memref_slice %arg5[%add3A_654, %dma_start3A_661] : memref<128x200xi32, #tpu.memory_space<vmem>> -> memref<1x72xi32, #tpu.memory_space<vmem>>
          %dma_start3A_663 = tpu.memref_squeeze %dma_start3A_662 : memref<1x72xi32, #tpu.memory_space<vmem>> -> memref<72xi32, #tpu.memory_space<vmem>>
          %dma_start3A_664 = arith.constant 0 : i32
          %dma_start3A_665 = arith.constant 0 : i32
          %dma_start3A_666 = tpu.memref_slice %arg3[%dma_start3A_664, %dma_start3A_665] : memref<1000000x32xf32, #tpu.memory_space<hbm>> -> memref<1000000x32xf32, #tpu.memory_space<hbm>>
          tpu.enqueue_indirect_dma source(%dma_start3A_666 : memref<1000000x32xf32, #tpu.memory_space<hbm>>) target(%dma_start3A_660 : memref<72x32xf32, #tpu.memory_space<vmem>>) offsets(%dma_start3A_663 : memref<72xi32, #tpu.memory_space<vmem>>) semaphore(%arg7 : memref<!tpu.dma_semaphore, #tpu.memory_space<semaphore_mem>>)
          %add3A_667 = arith.constant 3 : i32
          %add3A_668 = arith.addi %multiple_of3A_582, %add3A_667 : i32
          %dma_start3A_669 = arith.constant 0 : i32
          %dma_start3A_670 = arith.constant 3 : i32
          %dma_start3A_671 = arith.constant 0 : i32
          %dma_start3A_672 = arith.constant 0 : i32
          %dma_start3A_673 = tpu.memref_slice %arg6[%dma_start3A_669, %dma_start3A_670, %dma_start3A_671, %dma_start3A_672] : memref<2x8x200x32xf32, #tpu.memory_space<vmem>> -> memref<1x1x128x32xf32, #tpu.memory_space<vmem>>
          %dma_start3A_674 = tpu.memref_squeeze %dma_start3A_673 : memref<1x1x128x32xf32, #tpu.memory_space<vmem>> -> memref<128x32xf32, #tpu.memory_space<vmem>>
          %dma_start3A_675 = arith.constant 0 : i32
          %dma_start3A_676 = tpu.memref_slice %arg5[%add3A_668, %dma_start3A_675] : memref<128x200xi32, #tpu.memory_space<vmem>> -> memref<1x128xi32, #tpu.memory_space<vmem>>
          %dma_start3A_677 = tpu.memref_squeeze %dma_start3A_676 : memref<1x128xi32, #tpu.memory_space<vmem>> -> memref<128xi32, #tpu.memory_space<vmem>>
          %dma_start3A_678 = arith.constant 0 : i32
          %dma_start3A_679 = arith.constant 0 : i32
          %dma_start3A_680 = tpu.memref_slice %arg3[%dma_start3A_678, %dma_start3A_679] : memref<1000000x32xf32, #tpu.memory_space<hbm>> -> memref<1000000x32xf32, #tpu.memory_space<hbm>>
          tpu.enqueue_indirect_dma source(%dma_start3A_680 : memref<1000000x32xf32, #tpu.memory_space<hbm>>) target(%dma_start3A_674 : memref<128x32xf32, #tpu.memory_space<vmem>>) offsets(%dma_start3A_677 : memref<128xi32, #tpu.memory_space<vmem>>) semaphore(%arg7 : memref<!tpu.dma_semaphore, #tpu.memory_space<semaphore_mem>>)
          %add3A_681 = arith.constant 3 : i32
          %add3A_682 = arith.addi %multiple_of3A_582, %add3A_681 : i32
          %dma_start3A_683 = arith.constant 0 : i32
          %dma_start3A_684 = arith.constant 3 : i32
          %dma_start3A_685 = arith.constant 128 : i32
          %dma_start3A_686 = arith.constant 0 : i32
          %dma_start3A_687 = tpu.memref_slice %arg6[%dma_start3A_683, %dma_start3A_684, %dma_start3A_685, %dma_start3A_686] : memref<2x8x200x32xf32, #tpu.memory_space<vmem>> -> memref<1x1x72x32xf32, #tpu.memory_space<vmem>>
          %dma_start3A_688 = tpu.memref_squeeze %dma_start3A_687 : memref<1x1x72x32xf32, #tpu.memory_space<vmem>> -> memref<72x32xf32, #tpu.memory_space<vmem>>
          %dma_start3A_689 = arith.constant 128 : i32
          %dma_start3A_690 = tpu.memref_slice %arg5[%add3A_682, %dma_start3A_689] : memref<128x200xi32, #tpu.memory_space<vmem>> -> memref<1x72xi32, #tpu.memory_space<vmem>>
          %dma_start3A_691 = tpu.memref_squeeze %dma_start3A_690 : memref<1x72xi32, #tpu.memory_space<vmem>> -> memref<72xi32, #tpu.memory_space<vmem>>
          %dma_start3A_692 = arith.constant 0 : i32
          %dma_start3A_693 = arith.constant 0 : i32
          %dma_start3A_694 = tpu.memref_slice %arg3[%dma_start3A_692, %dma_start3A_693] : memref<1000000x32xf32, #tpu.memory_space<hbm>> -> memref<1000000x32xf32, #tpu.memory_space<hbm>>
          tpu.enqueue_indirect_dma source(%dma_start3A_694 : memref<1000000x32xf32, #tpu.memory_space<hbm>>) target(%dma_start3A_688 : memref<72x32xf32, #tpu.memory_space<vmem>>) offsets(%dma_start3A_691 : memref<72xi32, #tpu.memory_space<vmem>>) semaphore(%arg7 : memref<!tpu.dma_semaphore, #tpu.memory_space<semaphore_mem>>)
          %add3A_695 = arith.constant 4 : i32
          %add3A_696 = arith.addi %multiple_of3A_582, %add3A_695 : i32
          %dma_start3A_697 = arith.constant 0 : i32
          %dma_start3A_698 = arith.constant 4 : i32
          %dma_start3A_699 = arith.constant 0 : i32
          %dma_start3A_700 = arith.constant 0 : i32
          %dma_start3A_701 = tpu.memref_slice %arg6[%dma_start3A_697, %dma_start3A_698, %dma_start3A_699, %dma_start3A_700] : memref<2x8x200x32xf32, #tpu.memory_space<vmem>> -> memref<1x1x128x32xf32, #tpu.memory_space<vmem>>
          %dma_start3A_702 = tpu.memref_squeeze %dma_start3A_701 : memref<1x1x128x32xf32, #tpu.memory_space<vmem>> -> memref<128x32xf32, #tpu.memory_space<vmem>>
          %dma_start3A_703 = arith.constant 0 : i32
          %dma_start3A_704 = tpu.memref_slice %arg5[%add3A_696, %dma_start3A_703] : memref<128x200xi32, #tpu.memory_space<vmem>> -> memref<1x128xi32, #tpu.memory_space<vmem>>
          %dma_start3A_705 = tpu.memref_squeeze %dma_start3A_704 : memref<1x128xi32, #tpu.memory_space<vmem>> -> memref<128xi32, #tpu.memory_space<vmem>>
          %dma_start3A_706 = arith.constant 0 : i32
          %dma_start3A_707 = arith.constant 0 : i32
          %dma_start3A_708 = tpu.memref_slice %arg3[%dma_start3A_706, %dma_start3A_707] : memref<1000000x32xf32, #tpu.memory_space<hbm>> -> memref<1000000x32xf32, #tpu.memory_space<hbm>>
          tpu.enqueue_indirect_dma source(%dma_start3A_708 : memref<1000000x32xf32, #tpu.memory_space<hbm>>) target(%dma_start3A_702 : memref<128x32xf32, #tpu.memory_space<vmem>>) offsets(%dma_start3A_705 : memref<128xi32, #tpu.memory_space<vmem>>) semaphore(%arg7 : memref<!tpu.dma_semaphore, #tpu.memory_space<semaphore_mem>>)
          %add3A_709 = arith.constant 4 : i32
          %add3A_710 = arith.addi %multiple_of3A_582, %add3A_709 : i32
          %dma_start3A_711 = arith.constant 0 : i32
          %dma_start3A_712 = arith.constant 4 : i32
          %dma_start3A_713 = arith.constant 128 : i32
          %dma_start3A_714 = arith.constant 0 : i32
          %dma_start3A_715 = tpu.memref_slice %arg6[%dma_start3A_711, %dma_start3A_712, %dma_start3A_713, %dma_start3A_714] : memref<2x8x200x32xf32, #tpu.memory_space<vmem>> -> memref<1x1x72x32xf32, #tpu.memory_space<vmem>>
          %dma_start3A_716 = tpu.memref_squeeze %dma_start3A_715 : memref<1x1x72x32xf32, #tpu.memory_space<vmem>> -> memref<72x32xf32, #tpu.memory_space<vmem>>
          %dma_start3A_717 = arith.constant 128 : i32
          %dma_start3A_718 = tpu.memref_slice %arg5[%add3A_710, %dma_start3A_717] : memref<128x200xi32, #tpu.memory_space<vmem>> -> memref<1x72xi32, #tpu.memory_space<vmem>>
          %dma_start3A_719 = tpu.memref_squeeze %dma_start3A_718 : memref<1x72xi32, #tpu.memory_space<vmem>> -> memref<72xi32, #tpu.memory_space<vmem>>
          %dma_start3A_720 = arith.constant 0 : i32
          %dma_start3A_721 = arith.constant 0 : i32
          %dma_start3A_722 = tpu.memref_slice %arg3[%dma_start3A_720, %dma_start3A_721] : memref<1000000x32xf32, #tpu.memory_space<hbm>> -> memref<1000000x32xf32, #tpu.memory_space<hbm>>
          tpu.enqueue_indirect_dma source(%dma_start3A_722 : memref<1000000x32xf32, #tpu.memory_space<hbm>>) target(%dma_start3A_716 : memref<72x32xf32, #tpu.memory_space<vmem>>) offsets(%dma_start3A_719 : memref<72xi32, #tpu.memory_space<vmem>>) semaphore(%arg7 : memref<!tpu.dma_semaphore, #tpu.memory_space<semaphore_mem>>)
          %add3A_723 = arith.constant 5 : i32
          %add3A_724 = arith.addi %multiple_of3A_582, %add3A_723 : i32
          %dma_start3A_725 = arith.constant 0 : i32
          %dma_start3A_726 = arith.constant 5 : i32
          %dma_start3A_727 = arith.constant 0 : i32
          %dma_start3A_728 = arith.constant 0 : i32
          %dma_start3A_729 = tpu.memref_slice %arg6[%dma_start3A_725, %dma_start3A_726, %dma_start3A_727, %dma_start3A_728] : memref<2x8x200x32xf32, #tpu.memory_space<vmem>> -> memref<1x1x128x32xf32, #tpu.memory_space<vmem>>
          %dma_start3A_730 = tpu.memref_squeeze %dma_start3A_729 : memref<1x1x128x32xf32, #tpu.memory_space<vmem>> -> memref<128x32xf32, #tpu.memory_space<vmem>>
          %dma_start3A_731 = arith.constant 0 : i32
          %dma_start3A_732 = tpu.memref_slice %arg5[%add3A_724, %dma_start3A_731] : memref<128x200xi32, #tpu.memory_space<vmem>> -> memref<1x128xi32, #tpu.memory_space<vmem>>
          %dma_start3A_733 = tpu.memref_squeeze %dma_start3A_732 : memref<1x128xi32, #tpu.memory_space<vmem>> -> memref<128xi32, #tpu.memory_space<vmem>>
          %dma_start3A_734 = arith.constant 0 : i32
          %dma_start3A_735 = arith.constant 0 : i32
          %dma_start3A_736 = tpu.memref_slice %arg3[%dma_start3A_734, %dma_start3A_735] : memref<1000000x32xf32, #tpu.memory_space<hbm>> -> memref<1000000x32xf32, #tpu.memory_space<hbm>>
          tpu.enqueue_indirect_dma source(%dma_start3A_736 : memref<1000000x32xf32, #tpu.memory_space<hbm>>) target(%dma_start3A_730 : memref<128x32xf32, #tpu.memory_space<vmem>>) offsets(%dma_start3A_733 : memref<128xi32, #tpu.memory_space<vmem>>) semaphore(%arg7 : memref<!tpu.dma_semaphore, #tpu.memory_space<semaphore_mem>>)
          %add3A_737 = arith.constant 5 : i32
          %add3A_738 = arith.addi %multiple_of3A_582, %add3A_737 : i32
          %dma_start3A_739 = arith.constant 0 : i32
          %dma_start3A_740 = arith.constant 5 : i32
          %dma_start3A_741 = arith.constant 128 : i32
          %dma_start3A_742 = arith.constant 0 : i32
          %dma_start3A_743 = tpu.memref_slice %arg6[%dma_start3A_739, %dma_start3A_740, %dma_start3A_741, %dma_start3A_742] : memref<2x8x200x32xf32, #tpu.memory_space<vmem>> -> memref<1x1x72x32xf32, #tpu.memory_space<vmem>>
          %dma_start3A_744 = tpu.memref_squeeze %dma_start3A_743 : memref<1x1x72x32xf32, #tpu.memory_space<vmem>> -> memref<72x32xf32, #tpu.memory_space<vmem>>
          %dma_start3A_745 = arith.constant 128 : i32
          %dma_start3A_746 = tpu.memref_slice %arg5[%add3A_738, %dma_start3A_745] : memref<128x200xi32, #tpu.memory_space<vmem>> -> memref<1x72xi32, #tpu.memory_space<vmem>>
          %dma_start3A_747 = tpu.memref_squeeze %dma_start3A_746 : memref<1x72xi32, #tpu.memory_space<vmem>> -> memref<72xi32, #tpu.memory_space<vmem>>
          %dma_start3A_748 = arith.constant 0 : i32
          %dma_start3A_749 = arith.constant 0 : i32
          %dma_start3A_750 = tpu.memref_slice %arg3[%dma_start3A_748, %dma_start3A_749] : memref<1000000x32xf32, #tpu.memory_space<hbm>> -> memref<1000000x32xf32, #tpu.memory_space<hbm>>
          tpu.enqueue_indirect_dma source(%dma_start3A_750 : memref<1000000x32xf32, #tpu.memory_space<hbm>>) target(%dma_start3A_744 : memref<72x32xf32, #tpu.memory_space<vmem>>) offsets(%dma_start3A_747 : memref<72xi32, #tpu.memory_space<vmem>>) semaphore(%arg7 : memref<!tpu.dma_semaphore, #tpu.memory_space<semaphore_mem>>)
          %add3A_751 = arith.constant 6 : i32
          %add3A_752 = arith.addi %multiple_of3A_582, %add3A_751 : i32
          %dma_start3A_753 = arith.constant 0 : i32
          %dma_start3A_754 = arith.constant 6 : i32
          %dma_start3A_755 = arith.constant 0 : i32
          %dma_start3A_756 = arith.constant 0 : i32
          %dma_start3A_757 = tpu.memref_slice %arg6[%dma_start3A_753, %dma_start3A_754, %dma_start3A_755, %dma_start3A_756] : memref<2x8x200x32xf32, #tpu.memory_space<vmem>> -> memref<1x1x128x32xf32, #tpu.memory_space<vmem>>
          %dma_start3A_758 = tpu.memref_squeeze %dma_start3A_757 : memref<1x1x128x32xf32, #tpu.memory_space<vmem>> -> memref<128x32xf32, #tpu.memory_space<vmem>>
          %dma_start3A_759 = arith.constant 0 : i32
          %dma_start3A_760 = tpu.memref_slice %arg5[%add3A_752, %dma_start3A_759] : memref<128x200xi32, #tpu.memory_space<vmem>> -> memref<1x128xi32, #tpu.memory_space<vmem>>
          %dma_start3A_761 = tpu.memref_squeeze %dma_start3A_760 : memref<1x128xi32, #tpu.memory_space<vmem>> -> memref<128xi32, #tpu.memory_space<vmem>>
          %dma_start3A_762 = arith.constant 0 : i32
          %dma_start3A_763 = arith.constant 0 : i32
          %dma_start3A_764 = tpu.memref_slice %arg3[%dma_start3A_762, %dma_start3A_763] : memref<1000000x32xf32, #tpu.memory_space<hbm>> -> memref<1000000x32xf32, #tpu.memory_space<hbm>>
          tpu.enqueue_indirect_dma source(%dma_start3A_764 : memref<1000000x32xf32, #tpu.memory_space<hbm>>) target(%dma_start3A_758 : memref<128x32xf32, #tpu.memory_space<vmem>>) offsets(%dma_start3A_761 : memref<128xi32, #tpu.memory_space<vmem>>) semaphore(%arg7 : memref<!tpu.dma_semaphore, #tpu.memory_space<semaphore_mem>>)
          %add3A_765 = arith.constant 6 : i32
          %add3A_766 = arith.addi %multiple_of3A_582, %add3A_765 : i32
          %dma_start3A_767 = arith.constant 0 : i32
          %dma_start3A_768 = arith.constant 6 : i32
          %dma_start3A_769 = arith.constant 128 : i32
          %dma_start3A_770 = arith.constant 0 : i32
          %dma_start3A_771 = tpu.memref_slice %arg6[%dma_start3A_767, %dma_start3A_768, %dma_start3A_769, %dma_start3A_770] : memref<2x8x200x32xf32, #tpu.memory_space<vmem>> -> memref<1x1x72x32xf32, #tpu.memory_space<vmem>>
          %dma_start3A_772 = tpu.memref_squeeze %dma_start3A_771 : memref<1x1x72x32xf32, #tpu.memory_space<vmem>> -> memref<72x32xf32, #tpu.memory_space<vmem>>
          %dma_start3A_773 = arith.constant 128 : i32
          %dma_start3A_774 = tpu.memref_slice %arg5[%add3A_766, %dma_start3A_773] : memref<128x200xi32, #tpu.memory_space<vmem>> -> memref<1x72xi32, #tpu.memory_space<vmem>>
          %dma_start3A_775 = tpu.memref_squeeze %dma_start3A_774 : memref<1x72xi32, #tpu.memory_space<vmem>> -> memref<72xi32, #tpu.memory_space<vmem>>
          %dma_start3A_776 = arith.constant 0 : i32
          %dma_start3A_777 = arith.constant 0 : i32
          %dma_start3A_778 = tpu.memref_slice %arg3[%dma_start3A_776, %dma_start3A_777] : memref<1000000x32xf32, #tpu.memory_space<hbm>> -> memref<1000000x32xf32, #tpu.memory_space<hbm>>
          tpu.enqueue_indirect_dma source(%dma_start3A_778 : memref<1000000x32xf32, #tpu.memory_space<hbm>>) target(%dma_start3A_772 : memref<72x32xf32, #tpu.memory_space<vmem>>) offsets(%dma_start3A_775 : memref<72xi32, #tpu.memory_space<vmem>>) semaphore(%arg7 : memref<!tpu.dma_semaphore, #tpu.memory_space<semaphore_mem>>)
          %add3A_779 = arith.constant 7 : i32
          %add3A_780 = arith.addi %multiple_of3A_582, %add3A_779 : i32
          %dma_start3A_781 = arith.constant 0 : i32
          %dma_start3A_782 = arith.constant 7 : i32
          %dma_start3A_783 = arith.constant 0 : i32
          %dma_start3A_784 = arith.constant 0 : i32
          %dma_start3A_785 = tpu.memref_slice %arg6[%dma_start3A_781, %dma_start3A_782, %dma_start3A_783, %dma_start3A_784] : memref<2x8x200x32xf32, #tpu.memory_space<vmem>> -> memref<1x1x128x32xf32, #tpu.memory_space<vmem>>
          %dma_start3A_786 = tpu.memref_squeeze %dma_start3A_785 : memref<1x1x128x32xf32, #tpu.memory_space<vmem>> -> memref<128x32xf32, #tpu.memory_space<vmem>>
          %dma_start3A_787 = arith.constant 0 : i32
          %dma_start3A_788 = tpu.memref_slice %arg5[%add3A_780, %dma_start3A_787] : memref<128x200xi32, #tpu.memory_space<vmem>> -> memref<1x128xi32, #tpu.memory_space<vmem>>
          %dma_start3A_789 = tpu.memref_squeeze %dma_start3A_788 : memref<1x128xi32, #tpu.memory_space<vmem>> -> memref<128xi32, #tpu.memory_space<vmem>>
          %dma_start3A_790 = arith.constant 0 : i32
          %dma_start3A_791 = arith.constant 0 : i32
          %dma_start3A_792 = tpu.memref_slice %arg3[%dma_start3A_790, %dma_start3A_791] : memref<1000000x32xf32, #tpu.memory_space<hbm>> -> memref<1000000x32xf32, #tpu.memory_space<hbm>>
          tpu.enqueue_indirect_dma source(%dma_start3A_792 : memref<1000000x32xf32, #tpu.memory_space<hbm>>) target(%dma_start3A_786 : memref<128x32xf32, #tpu.memory_space<vmem>>) offsets(%dma_start3A_789 : memref<128xi32, #tpu.memory_space<vmem>>) semaphore(%arg7 : memref<!tpu.dma_semaphore, #tpu.memory_space<semaphore_mem>>)
          %add3A_793 = arith.constant 7 : i32
          %add3A_794 = arith.addi %multiple_of3A_582, %add3A_793 : i32
          %dma_start3A_795 = arith.constant 0 : i32
          %dma_start3A_796 = arith.constant 7 : i32
          %dma_start3A_797 = arith.constant 128 : i32
          %dma_start3A_798 = arith.constant 0 : i32
          %dma_start3A_799 = tpu.memref_slice %arg6[%dma_start3A_795, %dma_start3A_796, %dma_start3A_797, %dma_start3A_798] : memref<2x8x200x32xf32, #tpu.memory_space<vmem>> -> memref<1x1x72x32xf32, #tpu.memory_space<vmem>>
          %dma_start3A_800 = tpu.memref_squeeze %dma_start3A_799 : memref<1x1x72x32xf32, #tpu.memory_space<vmem>> -> memref<72x32xf32, #tpu.memory_space<vmem>>
          %dma_start3A_801 = arith.constant 128 : i32
          %dma_start3A_802 = tpu.memref_slice %arg5[%add3A_794, %dma_start3A_801] : memref<128x200xi32, #tpu.memory_space<vmem>> -> memref<1x72xi32, #tpu.memory_space<vmem>>
          %dma_start3A_803 = tpu.memref_squeeze %dma_start3A_802 : memref<1x72xi32, #tpu.memory_space<vmem>> -> memref<72xi32, #tpu.memory_space<vmem>>
          %dma_start3A_804 = arith.constant 0 : i32
          %dma_start3A_805 = arith.constant 0 : i32
          %dma_start3A_806 = tpu.memref_slice %arg3[%dma_start3A_804, %dma_start3A_805] : memref<1000000x32xf32, #tpu.memory_space<hbm>> -> memref<1000000x32xf32, #tpu.memory_space<hbm>>
          tpu.enqueue_indirect_dma source(%dma_start3A_806 : memref<1000000x32xf32, #tpu.memory_space<hbm>>) target(%dma_start3A_800 : memref<72x32xf32, #tpu.memory_space<vmem>>) offsets(%dma_start3A_803 : memref<72xi32, #tpu.memory_space<vmem>>) semaphore(%arg7 : memref<!tpu.dma_semaphore, #tpu.memory_space<semaphore_mem>>)
        } else {
        }
      } else {
      }
      %mul3A_503 = arith.constant 2 : i32
      %mul3A_504 = arith.muli %scan3A_496, %mul3A_503 : i32
      %add3A_505 = arith.constant 1 : i32
      %add3A_506 = arith.addi %mul3A_504, %add3A_505 : i32
      %lt3A_507 = arith.constant 16 : i32
      %lt3A_508 = arith.cmpi slt, %add3A_506, %lt3A_507 : i32
      %convert_element_type3A_509 = arith.extui %lt3A_508 : i1 to i32
      %cond3A_510 = arith.constant 0 : i32
      %cond3A_511 = arith.cmpi ne, %convert_element_type3A_509, %cond3A_510 : i32
      scf.if %cond3A_511 {
        %dma_wait3A_512 = arith.constant 1 : i32
        %dma_wait3A_513 = arith.constant 0 : i32
        %dma_wait3A_514 = arith.constant 0 : i32
        %dma_wait3A_515 = arith.constant 0 : i32
        %dma_wait3A_516 = tpu.memref_slice %arg6[%dma_wait3A_512, %dma_wait3A_513, %dma_wait3A_514, %dma_wait3A_515] : memref<2x8x200x32xf32, #tpu.memory_space<vmem>> -> memref<1x8x200x32xf32, #tpu.memory_space<vmem>>
        %dma_wait3A_517 = tpu.memref_squeeze %dma_wait3A_516 : memref<1x8x200x32xf32, #tpu.memory_space<vmem>> -> memref<8x200x32xf32, #tpu.memory_space<vmem>>
        %dma_wait3A_518 = arith.constant 0 : i32
        %dma_wait3A_519 = arith.constant 0 : i32
        %dma_wait3A_520 = arith.constant 0 : i32
        %dma_wait3A_521 = tpu.memref_slice %arg4[%dma_wait3A_518, %dma_wait3A_519, %dma_wait3A_520] : memref<4096x200x32xf32, #tpu.memory_space<hbm>> -> memref<8x200x32xf32, #tpu.memory_space<hbm>>
        %dma_wait3A_522 = arith.constant 0 : i32
        %dma_wait3A_523 = arith.constant 0 : i32
        %dma_wait3A_524 = arith.constant 0 : i32
        %dma_wait3A_525 = tpu.memref_slice %arg6[%dma_wait3A_512, %dma_wait3A_522, %dma_wait3A_523, %dma_wait3A_524] : memref<2x8x200x32xf32, #tpu.memory_space<vmem>> -> memref<1x8x200x32xf32, #tpu.memory_space<vmem>>
        %dma_wait3A_526 = tpu.memref_squeeze %dma_wait3A_525 : memref<1x8x200x32xf32, #tpu.memory_space<vmem>> -> memref<8x200x32xf32, #tpu.memory_space<vmem>>
        %dma_wait3A_527 = arith.constant 0 : i32
        %dma_wait3A_528 = arith.constant 0 : i32
        %dma_wait3A_529 = arith.constant 0 : i32
        %dma_wait3A_530 = tpu.memref_slice %arg4[%dma_wait3A_527, %dma_wait3A_528, %dma_wait3A_529] : memref<4096x200x32xf32, #tpu.memory_space<hbm>> -> memref<8x200x32xf32, #tpu.memory_space<hbm>>
        tpu.wait_dma2 semaphore(%arg8 : memref<!tpu.dma_semaphore, #tpu.memory_space<semaphore_mem>>) src(%dma_wait3A_530 : memref<8x200x32xf32, #tpu.memory_space<hbm>>) dst(%dma_wait3A_526 : memref<8x200x32xf32, #tpu.memory_space<vmem>>)
        %mul3A_531 = arith.constant 8 : i32
        %mul3A_532 = arith.muli %add3A_506, %mul3A_531 : i32
        %add3A_533 = arith.addi %multiple_of3A, %mul3A_532 : i32
        %multiple_of3A_534 = tpu.assume_multiple %add3A_533, 8 : i32
        %dma_start3A_535 = arith.constant 1 : i32
        %dma_start3A_536 = arith.constant 0 : i32
        %dma_start3A_537 = arith.constant 0 : i32
        %dma_start3A_538 = arith.constant 0 : i32
        %dma_start3A_539 = tpu.memref_slice %arg6[%dma_start3A_535, %dma_start3A_536, %dma_start3A_537, %dma_start3A_538] : memref<2x8x200x32xf32, #tpu.memory_space<vmem>> -> memref<1x8x200x32xf32, #tpu.memory_space<vmem>>
        %dma_start3A_540 = tpu.memref_squeeze %dma_start3A_539 : memref<1x8x200x32xf32, #tpu.memory_space<vmem>> -> memref<8x200x32xf32, #tpu.memory_space<vmem>>
        %dma_start3A_541 = arith.constant 0 : i32
        %dma_start3A_542 = arith.constant 0 : i32
        %dma_start3A_543 = tpu.memref_slice %arg4[%multiple_of3A_534, %dma_start3A_541, %dma_start3A_542] : memref<4096x200x32xf32, #tpu.memory_space<hbm>> -> memref<8x200x32xf32, #tpu.memory_space<hbm>>
        %dma_start3A_544 = arith.constant 0 : i32
        %dma_start3A_545 = arith.constant 0 : i32
        %dma_start3A_546 = tpu.memref_slice %arg4[%multiple_of3A_534, %dma_start3A_544, %dma_start3A_545] : memref<4096x200x32xf32, #tpu.memory_space<hbm>> -> memref<8x200x32xf32, #tpu.memory_space<hbm>>
        %dma_start3A_547 = arith.constant 0 : i32
        %dma_start3A_548 = arith.constant 0 : i32
        %dma_start3A_549 = arith.constant 0 : i32
        %dma_start3A_550 = tpu.memref_slice %arg6[%dma_start3A_535, %dma_start3A_547, %dma_start3A_548, %dma_start3A_549] : memref<2x8x200x32xf32, #tpu.memory_space<vmem>> -> memref<1x8x200x32xf32, #tpu.memory_space<vmem>>
        %dma_start3A_551 = tpu.memref_squeeze %dma_start3A_550 : memref<1x8x200x32xf32, #tpu.memory_space<vmem>> -> memref<8x200x32xf32, #tpu.memory_space<vmem>>
        tpu.enqueue_dma source(%dma_start3A_551 : memref<8x200x32xf32, #tpu.memory_space<vmem>>) target(%dma_start3A_546 : memref<8x200x32xf32, #tpu.memory_space<hbm>>) target_semaphore(%arg10 : memref<!tpu.dma_semaphore, #tpu.memory_space<semaphore_mem>>)
        %add3A_552 = arith.constant 2 : i32
        %add3A_553 = arith.addi %add3A_506, %add3A_552 : i32
        %lt3A_554 = arith.constant 16 : i32
        %lt3A_555 = arith.cmpi slt, %add3A_553, %lt3A_554 : i32
        %convert_element_type3A_556 = arith.extui %lt3A_555 : i1 to i32
        %cond3A_557 = arith.constant 0 : i32
        %cond3A_558 = arith.cmpi ne, %convert_element_type3A_556, %cond3A_557 : i32
        scf.if %cond3A_558 {
          %dma_wait3A_559 = arith.constant 1 : i32
          %dma_wait3A_560 = arith.constant 0 : i32
          %dma_wait3A_561 = arith.constant 0 : i32
          %dma_wait3A_562 = arith.constant 0 : i32
          %dma_wait3A_563 = tpu.memref_slice %arg6[%dma_wait3A_559, %dma_wait3A_560, %dma_wait3A_561, %dma_wait3A_562] : memref<2x8x200x32xf32, #tpu.memory_space<vmem>> -> memref<1x8x200x32xf32, #tpu.memory_space<vmem>>
          %dma_wait3A_564 = tpu.memref_squeeze %dma_wait3A_563 : memref<1x8x200x32xf32, #tpu.memory_space<vmem>> -> memref<8x200x32xf32, #tpu.memory_space<vmem>>
          %dma_wait3A_565 = arith.constant 0 : i32
          %dma_wait3A_566 = arith.constant 0 : i32
          %dma_wait3A_567 = arith.constant 0 : i32
          %dma_wait3A_568 = tpu.memref_slice %arg4[%dma_wait3A_565, %dma_wait3A_566, %dma_wait3A_567] : memref<4096x200x32xf32, #tpu.memory_space<hbm>> -> memref<8x200x32xf32, #tpu.memory_space<hbm>>
          %dma_wait3A_569 = arith.constant 0 : i32
          %dma_wait3A_570 = arith.constant 0 : i32
          %dma_wait3A_571 = arith.constant 0 : i32
          %dma_wait3A_572 = tpu.memref_slice %arg6[%dma_wait3A_559, %dma_wait3A_569, %dma_wait3A_570, %dma_wait3A_571] : memref<2x8x200x32xf32, #tpu.memory_space<vmem>> -> memref<1x8x200x32xf32, #tpu.memory_space<vmem>>
          %dma_wait3A_573 = tpu.memref_squeeze %dma_wait3A_572 : memref<1x8x200x32xf32, #tpu.memory_space<vmem>> -> memref<8x200x32xf32, #tpu.memory_space<vmem>>
          %dma_wait3A_574 = arith.constant 0 : i32
          %dma_wait3A_575 = arith.constant 0 : i32
          %dma_wait3A_576 = arith.constant 0 : i32
          %dma_wait3A_577 = tpu.memref_slice %arg4[%dma_wait3A_574, %dma_wait3A_575, %dma_wait3A_576] : memref<4096x200x32xf32, #tpu.memory_space<hbm>> -> memref<8x200x32xf32, #tpu.memory_space<hbm>>
          tpu.wait_dma2 semaphore(%arg10 : memref<!tpu.dma_semaphore, #tpu.memory_space<semaphore_mem>>) src(%dma_wait3A_577 : memref<8x200x32xf32, #tpu.memory_space<hbm>>) dst(%dma_wait3A_573 : memref<8x200x32xf32, #tpu.memory_space<vmem>>)
          %add3A_578 = arith.constant 2 : i32
          %add3A_579 = arith.addi %add3A_506, %add3A_578 : i32
          %mul3A_580 = arith.constant 8 : i32
          %mul3A_581 = arith.muli %add3A_579, %mul3A_580 : i32
          %multiple_of3A_582 = tpu.assume_multiple %mul3A_581, 8 : i32
          %add3A_583 = arith.constant 0 : i32
          %add3A_584 = arith.addi %multiple_of3A_582, %add3A_583 : i32
          %dma_start3A_585 = arith.constant 1 : i32
          %dma_start3A_586 = arith.constant 0 : i32
          %dma_start3A_587 = arith.constant 0 : i32
          %dma_start3A_588 = arith.constant 0 : i32
          %dma_start3A_589 = tpu.memref_slice %arg6[%dma_start3A_585, %dma_start3A_586, %dma_start3A_587, %dma_start3A_588] : memref<2x8x200x32xf32, #tpu.memory_space<vmem>> -> memref<1x1x128x32xf32, #tpu.memory_space<vmem>>
          %dma_start3A_590 = tpu.memref_squeeze %dma_start3A_589 : memref<1x1x128x32xf32, #tpu.memory_space<vmem>> -> memref<128x32xf32, #tpu.memory_space<vmem>>
          %dma_start3A_591 = arith.constant 0 : i32
          %dma_start3A_592 = tpu.memref_slice %arg5[%add3A_584, %dma_start3A_591] : memref<128x200xi32, #tpu.memory_space<vmem>> -> memref<1x128xi32, #tpu.memory_space<vmem>>
          %dma_start3A_593 = tpu.memref_squeeze %dma_start3A_592 : memref<1x128xi32, #tpu.memory_space<vmem>> -> memref<128xi32, #tpu.memory_space<vmem>>
          %dma_start3A_594 = arith.constant 0 : i32
          %dma_start3A_595 = arith.constant 0 : i32
          %dma_start3A_596 = tpu.memref_slice %arg3[%dma_start3A_594, %dma_start3A_595] : memref<1000000x32xf32, #tpu.memory_space<hbm>> -> memref<1000000x32xf32, #tpu.memory_space<hbm>>
          tpu.enqueue_indirect_dma source(%dma_start3A_596 : memref<1000000x32xf32, #tpu.memory_space<hbm>>) target(%dma_start3A_590 : memref<128x32xf32, #tpu.memory_space<vmem>>) offsets(%dma_start3A_593 : memref<128xi32, #tpu.memory_space<vmem>>) semaphore(%arg8 : memref<!tpu.dma_semaphore, #tpu.memory_space<semaphore_mem>>)
          %add3A_597 = arith.constant 0 : i32
          %add3A_598 = arith.addi %multiple_of3A_582, %add3A_597 : i32
          %dma_start3A_599 = arith.constant 1 : i32
          %dma_start3A_600 = arith.constant 0 : i32
          %dma_start3A_601 = arith.constant 128 : i32
          %dma_start3A_602 = arith.constant 0 : i32
          %dma_start3A_603 = tpu.memref_slice %arg6[%dma_start3A_599, %dma_start3A_600, %dma_start3A_601, %dma_start3A_602] : memref<2x8x200x32xf32, #tpu.memory_space<vmem>> -> memref<1x1x72x32xf32, #tpu.memory_space<vmem>>
          %dma_start3A_604 = tpu.memref_squeeze %dma_start3A_603 : memref<1x1x72x32xf32, #tpu.memory_space<vmem>> -> memref<72x32xf32, #tpu.memory_space<vmem>>
          %dma_start3A_605 = arith.constant 128 : i32
          %dma_start3A_606 = tpu.memref_slice %arg5[%add3A_598, %dma_start3A_605] : memref<128x200xi32, #tpu.memory_space<vmem>> -> memref<1x72xi32, #tpu.memory_space<vmem>>
          %dma_start3A_607 = tpu.memref_squeeze %dma_start3A_606 : memref<1x72xi32, #tpu.memory_space<vmem>> -> memref<72xi32, #tpu.memory_space<vmem>>
          %dma_start3A_608 = arith.constant 0 : i32
          %dma_start3A_609 = arith.constant 0 : i32
          %dma_start3A_610 = tpu.memref_slice %arg3[%dma_start3A_608, %dma_start3A_609] : memref<1000000x32xf32, #tpu.memory_space<hbm>> -> memref<1000000x32xf32, #tpu.memory_space<hbm>>
          tpu.enqueue_indirect_dma source(%dma_start3A_610 : memref<1000000x32xf32, #tpu.memory_space<hbm>>) target(%dma_start3A_604 : memref<72x32xf32, #tpu.memory_space<vmem>>) offsets(%dma_start3A_607 : memref<72xi32, #tpu.memory_space<vmem>>) semaphore(%arg8 : memref<!tpu.dma_semaphore, #tpu.memory_space<semaphore_mem>>)
          %add3A_611 = arith.constant 1 : i32
          %add3A_612 = arith.addi %multiple_of3A_582, %add3A_611 : i32
          %dma_start3A_613 = arith.constant 1 : i32
          %dma_start3A_614 = arith.constant 1 : i32
          %dma_start3A_615 = arith.constant 0 : i32
          %dma_start3A_616 = arith.constant 0 : i32
          %dma_start3A_617 = tpu.memref_slice %arg6[%dma_start3A_613, %dma_start3A_614, %dma_start3A_615, %dma_start3A_616] : memref<2x8x200x32xf32, #tpu.memory_space<vmem>> -> memref<1x1x128x32xf32, #tpu.memory_space<vmem>>
          %dma_start3A_618 = tpu.memref_squeeze %dma_start3A_617 : memref<1x1x128x32xf32, #tpu.memory_space<vmem>> -> memref<128x32xf32, #tpu.memory_space<vmem>>
          %dma_start3A_619 = arith.constant 0 : i32
          %dma_start3A_620 = tpu.memref_slice %arg5[%add3A_612, %dma_start3A_619] : memref<128x200xi32, #tpu.memory_space<vmem>> -> memref<1x128xi32, #tpu.memory_space<vmem>>
          %dma_start3A_621 = tpu.memref_squeeze %dma_start3A_620 : memref<1x128xi32, #tpu.memory_space<vmem>> -> memref<128xi32, #tpu.memory_space<vmem>>
          %dma_start3A_622 = arith.constant 0 : i32
          %dma_start3A_623 = arith.constant 0 : i32
          %dma_start3A_624 = tpu.memref_slice %arg3[%dma_start3A_622, %dma_start3A_623] : memref<1000000x32xf32, #tpu.memory_space<hbm>> -> memref<1000000x32xf32, #tpu.memory_space<hbm>>
          tpu.enqueue_indirect_dma source(%dma_start3A_624 : memref<1000000x32xf32, #tpu.memory_space<hbm>>) target(%dma_start3A_618 : memref<128x32xf32, #tpu.memory_space<vmem>>) offsets(%dma_start3A_621 : memref<128xi32, #tpu.memory_space<vmem>>) semaphore(%arg8 : memref<!tpu.dma_semaphore, #tpu.memory_space<semaphore_mem>>)
          %add3A_625 = arith.constant 1 : i32
          %add3A_626 = arith.addi %multiple_of3A_582, %add3A_625 : i32
          %dma_start3A_627 = arith.constant 1 : i32
          %dma_start3A_628 = arith.constant 1 : i32
          %dma_start3A_629 = arith.constant 128 : i32
          %dma_start3A_630 = arith.constant 0 : i32
          %dma_start3A_631 = tpu.memref_slice %arg6[%dma_start3A_627, %dma_start3A_628, %dma_start3A_629, %dma_start3A_630] : memref<2x8x200x32xf32, #tpu.memory_space<vmem>> -> memref<1x1x72x32xf32, #tpu.memory_space<vmem>>
          %dma_start3A_632 = tpu.memref_squeeze %dma_start3A_631 : memref<1x1x72x32xf32, #tpu.memory_space<vmem>> -> memref<72x32xf32, #tpu.memory_space<vmem>>
          %dma_start3A_633 = arith.constant 128 : i32
          %dma_start3A_634 = tpu.memref_slice %arg5[%add3A_626, %dma_start3A_633] : memref<128x200xi32, #tpu.memory_space<vmem>> -> memref<1x72xi32, #tpu.memory_space<vmem>>
          %dma_start3A_635 = tpu.memref_squeeze %dma_start3A_634 : memref<1x72xi32, #tpu.memory_space<vmem>> -> memref<72xi32, #tpu.memory_space<vmem>>
          %dma_start3A_636 = arith.constant 0 : i32
          %dma_start3A_637 = arith.constant 0 : i32
          %dma_start3A_638 = tpu.memref_slice %arg3[%dma_start3A_636, %dma_start3A_637] : memref<1000000x32xf32, #tpu.memory_space<hbm>> -> memref<1000000x32xf32, #tpu.memory_space<hbm>>
          tpu.enqueue_indirect_dma source(%dma_start3A_638 : memref<1000000x32xf32, #tpu.memory_space<hbm>>) target(%dma_start3A_632 : memref<72x32xf32, #tpu.memory_space<vmem>>) offsets(%dma_start3A_635 : memref<72xi32, #tpu.memory_space<vmem>>) semaphore(%arg8 : memref<!tpu.dma_semaphore, #tpu.memory_space<semaphore_mem>>)
          %add3A_639 = arith.constant 2 : i32
          %add3A_640 = arith.addi %multiple_of3A_582, %add3A_639 : i32
          %dma_start3A_641 = arith.constant 1 : i32
          %dma_start3A_642 = arith.constant 2 : i32
          %dma_start3A_643 = arith.constant 0 : i32
          %dma_start3A_644 = arith.constant 0 : i32
          %dma_start3A_645 = tpu.memref_slice %arg6[%dma_start3A_641, %dma_start3A_642, %dma_start3A_643, %dma_start3A_644] : memref<2x8x200x32xf32, #tpu.memory_space<vmem>> -> memref<1x1x128x32xf32, #tpu.memory_space<vmem>>
          %dma_start3A_646 = tpu.memref_squeeze %dma_start3A_645 : memref<1x1x128x32xf32, #tpu.memory_space<vmem>> -> memref<128x32xf32, #tpu.memory_space<vmem>>
          %dma_start3A_647 = arith.constant 0 : i32
          %dma_start3A_648 = tpu.memref_slice %arg5[%add3A_640, %dma_start3A_647] : memref<128x200xi32, #tpu.memory_space<vmem>> -> memref<1x128xi32, #tpu.memory_space<vmem>>
          %dma_start3A_649 = tpu.memref_squeeze %dma_start3A_648 : memref<1x128xi32, #tpu.memory_space<vmem>> -> memref<128xi32, #tpu.memory_space<vmem>>
          %dma_start3A_650 = arith.constant 0 : i32
          %dma_start3A_651 = arith.constant 0 : i32
          %dma_start3A_652 = tpu.memref_slice %arg3[%dma_start3A_650, %dma_start3A_651] : memref<1000000x32xf32, #tpu.memory_space<hbm>> -> memref<1000000x32xf32, #tpu.memory_space<hbm>>
          tpu.enqueue_indirect_dma source(%dma_start3A_652 : memref<1000000x32xf32, #tpu.memory_space<hbm>>) target(%dma_start3A_646 : memref<128x32xf32, #tpu.memory_space<vmem>>) offsets(%dma_start3A_649 : memref<128xi32, #tpu.memory_space<vmem>>) semaphore(%arg8 : memref<!tpu.dma_semaphore, #tpu.memory_space<semaphore_mem>>)
          %add3A_653 = arith.constant 2 : i32
          %add3A_654 = arith.addi %multiple_of3A_582, %add3A_653 : i32
          %dma_start3A_655 = arith.constant 1 : i32
          %dma_start3A_656 = arith.constant 2 : i32
          %dma_start3A_657 = arith.constant 128 : i32
          %dma_start3A_658 = arith.constant 0 : i32
          %dma_start3A_659 = tpu.memref_slice %arg6[%dma_start3A_655, %dma_start3A_656, %dma_start3A_657, %dma_start3A_658] : memref<2x8x200x32xf32, #tpu.memory_space<vmem>> -> memref<1x1x72x32xf32, #tpu.memory_space<vmem>>
          %dma_start3A_660 = tpu.memref_squeeze %dma_start3A_659 : memref<1x1x72x32xf32, #tpu.memory_space<vmem>> -> memref<72x32xf32, #tpu.memory_space<vmem>>
          %dma_start3A_661 = arith.constant 128 : i32
          %dma_start3A_662 = tpu.memref_slice %arg5[%add3A_654, %dma_start3A_661] : memref<128x200xi32, #tpu.memory_space<vmem>> -> memref<1x72xi32, #tpu.memory_space<vmem>>
          %dma_start3A_663 = tpu.memref_squeeze %dma_start3A_662 : memref<1x72xi32, #tpu.memory_space<vmem>> -> memref<72xi32, #tpu.memory_space<vmem>>
          %dma_start3A_664 = arith.constant 0 : i32
          %dma_start3A_665 = arith.constant 0 : i32
          %dma_start3A_666 = tpu.memref_slice %arg3[%dma_start3A_664, %dma_start3A_665] : memref<1000000x32xf32, #tpu.memory_space<hbm>> -> memref<1000000x32xf32, #tpu.memory_space<hbm>>
          tpu.enqueue_indirect_dma source(%dma_start3A_666 : memref<1000000x32xf32, #tpu.memory_space<hbm>>) target(%dma_start3A_660 : memref<72x32xf32, #tpu.memory_space<vmem>>) offsets(%dma_start3A_663 : memref<72xi32, #tpu.memory_space<vmem>>) semaphore(%arg8 : memref<!tpu.dma_semaphore, #tpu.memory_space<semaphore_mem>>)
          %add3A_667 = arith.constant 3 : i32
          %add3A_668 = arith.addi %multiple_of3A_582, %add3A_667 : i32
          %dma_start3A_669 = arith.constant 1 : i32
          %dma_start3A_670 = arith.constant 3 : i32
          %dma_start3A_671 = arith.constant 0 : i32
          %dma_start3A_672 = arith.constant 0 : i32
          %dma_start3A_673 = tpu.memref_slice %arg6[%dma_start3A_669, %dma_start3A_670, %dma_start3A_671, %dma_start3A_672] : memref<2x8x200x32xf32, #tpu.memory_space<vmem>> -> memref<1x1x128x32xf32, #tpu.memory_space<vmem>>
          %dma_start3A_674 = tpu.memref_squeeze %dma_start3A_673 : memref<1x1x128x32xf32, #tpu.memory_space<vmem>> -> memref<128x32xf32, #tpu.memory_space<vmem>>
          %dma_start3A_675 = arith.constant 0 : i32
          %dma_start3A_676 = tpu.memref_slice %arg5[%add3A_668, %dma_start3A_675] : memref<128x200xi32, #tpu.memory_space<vmem>> -> memref<1x128xi32, #tpu.memory_space<vmem>>
          %dma_start3A_677 = tpu.memref_squeeze %dma_start3A_676 : memref<1x128xi32, #tpu.memory_space<vmem>> -> memref<128xi32, #tpu.memory_space<vmem>>
          %dma_start3A_678 = arith.constant 0 : i32
          %dma_start3A_679 = arith.constant 0 : i32
          %dma_start3A_680 = tpu.memref_slice %arg3[%dma_start3A_678, %dma_start3A_679] : memref<1000000x32xf32, #tpu.memory_space<hbm>> -> memref<1000000x32xf32, #tpu.memory_space<hbm>>
          tpu.enqueue_indirect_dma source(%dma_start3A_680 : memref<1000000x32xf32, #tpu.memory_space<hbm>>) target(%dma_start3A_674 : memref<128x32xf32, #tpu.memory_space<vmem>>) offsets(%dma_start3A_677 : memref<128xi32, #tpu.memory_space<vmem>>) semaphore(%arg8 : memref<!tpu.dma_semaphore, #tpu.memory_space<semaphore_mem>>)
          %add3A_681 = arith.constant 3 : i32
          %add3A_682 = arith.addi %multiple_of3A_582, %add3A_681 : i32
          %dma_start3A_683 = arith.constant 1 : i32
          %dma_start3A_684 = arith.constant 3 : i32
          %dma_start3A_685 = arith.constant 128 : i32
          %dma_start3A_686 = arith.constant 0 : i32
          %dma_start3A_687 = tpu.memref_slice %arg6[%dma_start3A_683, %dma_start3A_684, %dma_start3A_685, %dma_start3A_686] : memref<2x8x200x32xf32, #tpu.memory_space<vmem>> -> memref<1x1x72x32xf32, #tpu.memory_space<vmem>>
          %dma_start3A_688 = tpu.memref_squeeze %dma_start3A_687 : memref<1x1x72x32xf32, #tpu.memory_space<vmem>> -> memref<72x32xf32, #tpu.memory_space<vmem>>
          %dma_start3A_689 = arith.constant 128 : i32
          %dma_start3A_690 = tpu.memref_slice %arg5[%add3A_682, %dma_start3A_689] : memref<128x200xi32, #tpu.memory_space<vmem>> -> memref<1x72xi32, #tpu.memory_space<vmem>>
          %dma_start3A_691 = tpu.memref_squeeze %dma_start3A_690 : memref<1x72xi32, #tpu.memory_space<vmem>> -> memref<72xi32, #tpu.memory_space<vmem>>
          %dma_start3A_692 = arith.constant 0 : i32
          %dma_start3A_693 = arith.constant 0 : i32
          %dma_start3A_694 = tpu.memref_slice %arg3[%dma_start3A_692, %dma_start3A_693] : memref<1000000x32xf32, #tpu.memory_space<hbm>> -> memref<1000000x32xf32, #tpu.memory_space<hbm>>
          tpu.enqueue_indirect_dma source(%dma_start3A_694 : memref<1000000x32xf32, #tpu.memory_space<hbm>>) target(%dma_start3A_688 : memref<72x32xf32, #tpu.memory_space<vmem>>) offsets(%dma_start3A_691 : memref<72xi32, #tpu.memory_space<vmem>>) semaphore(%arg8 : memref<!tpu.dma_semaphore, #tpu.memory_space<semaphore_mem>>)
          %add3A_695 = arith.constant 4 : i32
          %add3A_696 = arith.addi %multiple_of3A_582, %add3A_695 : i32
          %dma_start3A_697 = arith.constant 1 : i32
          %dma_start3A_698 = arith.constant 4 : i32
          %dma_start3A_699 = arith.constant 0 : i32
          %dma_start3A_700 = arith.constant 0 : i32
          %dma_start3A_701 = tpu.memref_slice %arg6[%dma_start3A_697, %dma_start3A_698, %dma_start3A_699, %dma_start3A_700] : memref<2x8x200x32xf32, #tpu.memory_space<vmem>> -> memref<1x1x128x32xf32, #tpu.memory_space<vmem>>
          %dma_start3A_702 = tpu.memref_squeeze %dma_start3A_701 : memref<1x1x128x32xf32, #tpu.memory_space<vmem>> -> memref<128x32xf32, #tpu.memory_space<vmem>>
          %dma_start3A_703 = arith.constant 0 : i32
          %dma_start3A_704 = tpu.memref_slice %arg5[%add3A_696, %dma_start3A_703] : memref<128x200xi32, #tpu.memory_space<vmem>> -> memref<1x128xi32, #tpu.memory_space<vmem>>
          %dma_start3A_705 = tpu.memref_squeeze %dma_start3A_704 : memref<1x128xi32, #tpu.memory_space<vmem>> -> memref<128xi32, #tpu.memory_space<vmem>>
          %dma_start3A_706 = arith.constant 0 : i32
          %dma_start3A_707 = arith.constant 0 : i32
          %dma_start3A_708 = tpu.memref_slice %arg3[%dma_start3A_706, %dma_start3A_707] : memref<1000000x32xf32, #tpu.memory_space<hbm>> -> memref<1000000x32xf32, #tpu.memory_space<hbm>>
          tpu.enqueue_indirect_dma source(%dma_start3A_708 : memref<1000000x32xf32, #tpu.memory_space<hbm>>) target(%dma_start3A_702 : memref<128x32xf32, #tpu.memory_space<vmem>>) offsets(%dma_start3A_705 : memref<128xi32, #tpu.memory_space<vmem>>) semaphore(%arg8 : memref<!tpu.dma_semaphore, #tpu.memory_space<semaphore_mem>>)
          %add3A_709 = arith.constant 4 : i32
          %add3A_710 = arith.addi %multiple_of3A_582, %add3A_709 : i32
          %dma_start3A_711 = arith.constant 1 : i32
          %dma_start3A_712 = arith.constant 4 : i32
          %dma_start3A_713 = arith.constant 128 : i32
          %dma_start3A_714 = arith.constant 0 : i32
          %dma_start3A_715 = tpu.memref_slice %arg6[%dma_start3A_711, %dma_start3A_712, %dma_start3A_713, %dma_start3A_714] : memref<2x8x200x32xf32, #tpu.memory_space<vmem>> -> memref<1x1x72x32xf32, #tpu.memory_space<vmem>>
          %dma_start3A_716 = tpu.memref_squeeze %dma_start3A_715 : memref<1x1x72x32xf32, #tpu.memory_space<vmem>> -> memref<72x32xf32, #tpu.memory_space<vmem>>
          %dma_start3A_717 = arith.constant 128 : i32
          %dma_start3A_718 = tpu.memref_slice %arg5[%add3A_710, %dma_start3A_717] : memref<128x200xi32, #tpu.memory_space<vmem>> -> memref<1x72xi32, #tpu.memory_space<vmem>>
          %dma_start3A_719 = tpu.memref_squeeze %dma_start3A_718 : memref<1x72xi32, #tpu.memory_space<vmem>> -> memref<72xi32, #tpu.memory_space<vmem>>
          %dma_start3A_720 = arith.constant 0 : i32
          %dma_start3A_721 = arith.constant 0 : i32
          %dma_start3A_722 = tpu.memref_slice %arg3[%dma_start3A_720, %dma_start3A_721] : memref<1000000x32xf32, #tpu.memory_space<hbm>> -> memref<1000000x32xf32, #tpu.memory_space<hbm>>
          tpu.enqueue_indirect_dma source(%dma_start3A_722 : memref<1000000x32xf32, #tpu.memory_space<hbm>>) target(%dma_start3A_716 : memref<72x32xf32, #tpu.memory_space<vmem>>) offsets(%dma_start3A_719 : memref<72xi32, #tpu.memory_space<vmem>>) semaphore(%arg8 : memref<!tpu.dma_semaphore, #tpu.memory_space<semaphore_mem>>)
          %add3A_723 = arith.constant 5 : i32
          %add3A_724 = arith.addi %multiple_of3A_582, %add3A_723 : i32
          %dma_start3A_725 = arith.constant 1 : i32
          %dma_start3A_726 = arith.constant 5 : i32
          %dma_start3A_727 = arith.constant 0 : i32
          %dma_start3A_728 = arith.constant 0 : i32
          %dma_start3A_729 = tpu.memref_slice %arg6[%dma_start3A_725, %dma_start3A_726, %dma_start3A_727, %dma_start3A_728] : memref<2x8x200x32xf32, #tpu.memory_space<vmem>> -> memref<1x1x128x32xf32, #tpu.memory_space<vmem>>
          %dma_start3A_730 = tpu.memref_squeeze %dma_start3A_729 : memref<1x1x128x32xf32, #tpu.memory_space<vmem>> -> memref<128x32xf32, #tpu.memory_space<vmem>>
          %dma_start3A_731 = arith.constant 0 : i32
          %dma_start3A_732 = tpu.memref_slice %arg5[%add3A_724, %dma_start3A_731] : memref<128x200xi32, #tpu.memory_space<vmem>> -> memref<1x128xi32, #tpu.memory_space<vmem>>
          %dma_start3A_733 = tpu.memref_squeeze %dma_start3A_732 : memref<1x128xi32, #tpu.memory_space<vmem>> -> memref<128xi32, #tpu.memory_space<vmem>>
          %dma_start3A_734 = arith.constant 0 : i32
          %dma_start3A_735 = arith.constant 0 : i32
          %dma_start3A_736 = tpu.memref_slice %arg3[%dma_start3A_734, %dma_start3A_735] : memref<1000000x32xf32, #tpu.memory_space<hbm>> -> memref<1000000x32xf32, #tpu.memory_space<hbm>>
          tpu.enqueue_indirect_dma source(%dma_start3A_736 : memref<1000000x32xf32, #tpu.memory_space<hbm>>) target(%dma_start3A_730 : memref<128x32xf32, #tpu.memory_space<vmem>>) offsets(%dma_start3A_733 : memref<128xi32, #tpu.memory_space<vmem>>) semaphore(%arg8 : memref<!tpu.dma_semaphore, #tpu.memory_space<semaphore_mem>>)
          %add3A_737 = arith.constant 5 : i32
          %add3A_738 = arith.addi %multiple_of3A_582, %add3A_737 : i32
          %dma_start3A_739 = arith.constant 1 : i32
          %dma_start3A_740 = arith.constant 5 : i32
          %dma_start3A_741 = arith.constant 128 : i32
          %dma_start3A_742 = arith.constant 0 : i32
          %dma_start3A_743 = tpu.memref_slice %arg6[%dma_start3A_739, %dma_start3A_740, %dma_start3A_741, %dma_start3A_742] : memref<2x8x200x32xf32, #tpu.memory_space<vmem>> -> memref<1x1x72x32xf32, #tpu.memory_space<vmem>>
          %dma_start3A_744 = tpu.memref_squeeze %dma_start3A_743 : memref<1x1x72x32xf32, #tpu.memory_space<vmem>> -> memref<72x32xf32, #tpu.memory_space<vmem>>
          %dma_start3A_745 = arith.constant 128 : i32
          %dma_start3A_746 = tpu.memref_slice %arg5[%add3A_738, %dma_start3A_745] : memref<128x200xi32, #tpu.memory_space<vmem>> -> memref<1x72xi32, #tpu.memory_space<vmem>>
          %dma_start3A_747 = tpu.memref_squeeze %dma_start3A_746 : memref<1x72xi32, #tpu.memory_space<vmem>> -> memref<72xi32, #tpu.memory_space<vmem>>
          %dma_start3A_748 = arith.constant 0 : i32
          %dma_start3A_749 = arith.constant 0 : i32
          %dma_start3A_750 = tpu.memref_slice %arg3[%dma_start3A_748, %dma_start3A_749] : memref<1000000x32xf32, #tpu.memory_space<hbm>> -> memref<1000000x32xf32, #tpu.memory_space<hbm>>
          tpu.enqueue_indirect_dma source(%dma_start3A_750 : memref<1000000x32xf32, #tpu.memory_space<hbm>>) target(%dma_start3A_744 : memref<72x32xf32, #tpu.memory_space<vmem>>) offsets(%dma_start3A_747 : memref<72xi32, #tpu.memory_space<vmem>>) semaphore(%arg8 : memref<!tpu.dma_semaphore, #tpu.memory_space<semaphore_mem>>)
          %add3A_751 = arith.constant 6 : i32
          %add3A_752 = arith.addi %multiple_of3A_582, %add3A_751 : i32
          %dma_start3A_753 = arith.constant 1 : i32
          %dma_start3A_754 = arith.constant 6 : i32
          %dma_start3A_755 = arith.constant 0 : i32
          %dma_start3A_756 = arith.constant 0 : i32
          %dma_start3A_757 = tpu.memref_slice %arg6[%dma_start3A_753, %dma_start3A_754, %dma_start3A_755, %dma_start3A_756] : memref<2x8x200x32xf32, #tpu.memory_space<vmem>> -> memref<1x1x128x32xf32, #tpu.memory_space<vmem>>
          %dma_start3A_758 = tpu.memref_squeeze %dma_start3A_757 : memref<1x1x128x32xf32, #tpu.memory_space<vmem>> -> memref<128x32xf32, #tpu.memory_space<vmem>>
          %dma_start3A_759 = arith.constant 0 : i32
          %dma_start3A_760 = tpu.memref_slice %arg5[%add3A_752, %dma_start3A_759] : memref<128x200xi32, #tpu.memory_space<vmem>> -> memref<1x128xi32, #tpu.memory_space<vmem>>
          %dma_start3A_761 = tpu.memref_squeeze %dma_start3A_760 : memref<1x128xi32, #tpu.memory_space<vmem>> -> memref<128xi32, #tpu.memory_space<vmem>>
          %dma_start3A_762 = arith.constant 0 : i32
          %dma_start3A_763 = arith.constant 0 : i32
          %dma_start3A_764 = tpu.memref_slice %arg3[%dma_start3A_762, %dma_start3A_763] : memref<1000000x32xf32, #tpu.memory_space<hbm>> -> memref<1000000x32xf32, #tpu.memory_space<hbm>>
          tpu.enqueue_indirect_dma source(%dma_start3A_764 : memref<1000000x32xf32, #tpu.memory_space<hbm>>) target(%dma_start3A_758 : memref<128x32xf32, #tpu.memory_space<vmem>>) offsets(%dma_start3A_761 : memref<128xi32, #tpu.memory_space<vmem>>) semaphore(%arg8 : memref<!tpu.dma_semaphore, #tpu.memory_space<semaphore_mem>>)
          %add3A_765 = arith.constant 6 : i32
          %add3A_766 = arith.addi %multiple_of3A_582, %add3A_765 : i32
          %dma_start3A_767 = arith.constant 1 : i32
          %dma_start3A_768 = arith.constant 6 : i32
          %dma_start3A_769 = arith.constant 128 : i32
          %dma_start3A_770 = arith.constant 0 : i32
          %dma_start3A_771 = tpu.memref_slice %arg6[%dma_start3A_767, %dma_start3A_768, %dma_start3A_769, %dma_start3A_770] : memref<2x8x200x32xf32, #tpu.memory_space<vmem>> -> memref<1x1x72x32xf32, #tpu.memory_space<vmem>>
          %dma_start3A_772 = tpu.memref_squeeze %dma_start3A_771 : memref<1x1x72x32xf32, #tpu.memory_space<vmem>> -> memref<72x32xf32, #tpu.memory_space<vmem>>
          %dma_start3A_773 = arith.constant 128 : i32
          %dma_start3A_774 = tpu.memref_slice %arg5[%add3A_766, %dma_start3A_773] : memref<128x200xi32, #tpu.memory_space<vmem>> -> memref<1x72xi32, #tpu.memory_space<vmem>>
          %dma_start3A_775 = tpu.memref_squeeze %dma_start3A_774 : memref<1x72xi32, #tpu.memory_space<vmem>> -> memref<72xi32, #tpu.memory_space<vmem>>
          %dma_start3A_776 = arith.constant 0 : i32
          %dma_start3A_777 = arith.constant 0 : i32
          %dma_start3A_778 = tpu.memref_slice %arg3[%dma_start3A_776, %dma_start3A_777] : memref<1000000x32xf32, #tpu.memory_space<hbm>> -> memref<1000000x32xf32, #tpu.memory_space<hbm>>
          tpu.enqueue_indirect_dma source(%dma_start3A_778 : memref<1000000x32xf32, #tpu.memory_space<hbm>>) target(%dma_start3A_772 : memref<72x32xf32, #tpu.memory_space<vmem>>) offsets(%dma_start3A_775 : memref<72xi32, #tpu.memory_space<vmem>>) semaphore(%arg8 : memref<!tpu.dma_semaphore, #tpu.memory_space<semaphore_mem>>)
          %add3A_779 = arith.constant 7 : i32
          %add3A_780 = arith.addi %multiple_of3A_582, %add3A_779 : i32
          %dma_start3A_781 = arith.constant 1 : i32
          %dma_start3A_782 = arith.constant 7 : i32
          %dma_start3A_783 = arith.constant 0 : i32
          %dma_start3A_784 = arith.constant 0 : i32
          %dma_start3A_785 = tpu.memref_slice %arg6[%dma_start3A_781, %dma_start3A_782, %dma_start3A_783, %dma_start3A_784] : memref<2x8x200x32xf32, #tpu.memory_space<vmem>> -> memref<1x1x128x32xf32, #tpu.memory_space<vmem>>
          %dma_start3A_786 = tpu.memref_squeeze %dma_start3A_785 : memref<1x1x128x32xf32, #tpu.memory_space<vmem>> -> memref<128x32xf32, #tpu.memory_space<vmem>>
          %dma_start3A_787 = arith.constant 0 : i32
          %dma_start3A_788 = tpu.memref_slice %arg5[%add3A_780, %dma_start3A_787] : memref<128x200xi32, #tpu.memory_space<vmem>> -> memref<1x128xi32, #tpu.memory_space<vmem>>
          %dma_start3A_789 = tpu.memref_squeeze %dma_start3A_788 : memref<1x128xi32, #tpu.memory_space<vmem>> -> memref<128xi32, #tpu.memory_space<vmem>>
          %dma_start3A_790 = arith.constant 0 : i32
          %dma_start3A_791 = arith.constant 0 : i32
          %dma_start3A_792 = tpu.memref_slice %arg3[%dma_start3A_790, %dma_start3A_791] : memref<1000000x32xf32, #tpu.memory_space<hbm>> -> memref<1000000x32xf32, #tpu.memory_space<hbm>>
          tpu.enqueue_indirect_dma source(%dma_start3A_792 : memref<1000000x32xf32, #tpu.memory_space<hbm>>) target(%dma_start3A_786 : memref<128x32xf32, #tpu.memory_space<vmem>>) offsets(%dma_start3A_789 : memref<128xi32, #tpu.memory_space<vmem>>) semaphore(%arg8 : memref<!tpu.dma_semaphore, #tpu.memory_space<semaphore_mem>>)
          %add3A_793 = arith.constant 7 : i32
          %add3A_794 = arith.addi %multiple_of3A_582, %add3A_793 : i32
          %dma_start3A_795 = arith.constant 1 : i32
          %dma_start3A_796 = arith.constant 7 : i32
          %dma_start3A_797 = arith.constant 128 : i32
          %dma_start3A_798 = arith.constant 0 : i32
          %dma_start3A_799 = tpu.memref_slice %arg6[%dma_start3A_795, %dma_start3A_796, %dma_start3A_797, %dma_start3A_798] : memref<2x8x200x32xf32, #tpu.memory_space<vmem>> -> memref<1x1x72x32xf32, #tpu.memory_space<vmem>>
          %dma_start3A_800 = tpu.memref_squeeze %dma_start3A_799 : memref<1x1x72x32xf32, #tpu.memory_space<vmem>> -> memref<72x32xf32, #tpu.memory_space<vmem>>
          %dma_start3A_801 = arith.constant 128 : i32
          %dma_start3A_802 = tpu.memref_slice %arg5[%add3A_794, %dma_start3A_801] : memref<128x200xi32, #tpu.memory_space<vmem>> -> memref<1x72xi32, #tpu.memory_space<vmem>>
          %dma_start3A_803 = tpu.memref_squeeze %dma_start3A_802 : memref<1x72xi32, #tpu.memory_space<vmem>> -> memref<72xi32, #tpu.memory_space<vmem>>
          %dma_start3A_804 = arith.constant 0 : i32
          %dma_start3A_805 = arith.constant 0 : i32
          %dma_start3A_806 = tpu.memref_slice %arg3[%dma_start3A_804, %dma_start3A_805] : memref<1000000x32xf32, #tpu.memory_space<hbm>> -> memref<1000000x32xf32, #tpu.memory_space<hbm>>
          tpu.enqueue_indirect_dma source(%dma_start3A_806 : memref<1000000x32xf32, #tpu.memory_space<hbm>>) target(%dma_start3A_800 : memref<72x32xf32, #tpu.memory_space<vmem>>) offsets(%dma_start3A_803 : memref<72xi32, #tpu.memory_space<vmem>>) semaphore(%arg8 : memref<!tpu.dma_semaphore, #tpu.memory_space<semaphore_mem>>)
        } else {
        }
      } else {
      }
    }
    %scan3A_458 = arith.constant 8 : i32
    %dma_wait3A = arith.constant 0 : i32
    %dma_wait3A_459 = arith.constant 0 : i32
    %dma_wait3A_460 = arith.constant 0 : i32
    %dma_wait3A_461 = arith.constant 0 : i32
    %dma_wait3A_462 = tpu.memref_slice %arg6[%dma_wait3A, %dma_wait3A_459, %dma_wait3A_460, %dma_wait3A_461] : memref<2x8x200x32xf32, #tpu.memory_space<vmem>> -> memref<1x8x200x32xf32, #tpu.memory_space<vmem>>
    %dma_wait3A_463 = tpu.memref_squeeze %dma_wait3A_462 : memref<1x8x200x32xf32, #tpu.memory_space<vmem>> -> memref<8x200x32xf32, #tpu.memory_space<vmem>>
    %dma_wait3A_464 = arith.constant 0 : i32
    %dma_wait3A_465 = arith.constant 0 : i32
    %dma_wait3A_466 = arith.constant 0 : i32
    %dma_wait3A_467 = tpu.memref_slice %arg4[%dma_wait3A_464, %dma_wait3A_465, %dma_wait3A_466] : memref<4096x200x32xf32, #tpu.memory_space<hbm>> -> memref<8x200x32xf32, #tpu.memory_space<hbm>>
    %dma_wait3A_468 = arith.constant 0 : i32
    %dma_wait3A_469 = arith.constant 0 : i32
    %dma_wait3A_470 = arith.constant 0 : i32
    %dma_wait3A_471 = tpu.memref_slice %arg6[%dma_wait3A, %dma_wait3A_468, %dma_wait3A_469, %dma_wait3A_470] : memref<2x8x200x32xf32, #tpu.memory_space<vmem>> -> memref<1x8x200x32xf32, #tpu.memory_space<vmem>>
    %dma_wait3A_472 = tpu.memref_squeeze %dma_wait3A_471 : memref<1x8x200x32xf32, #tpu.memory_space<vmem>> -> memref<8x200x32xf32, #tpu.memory_space<vmem>>
    %dma_wait3A_473 = arith.constant 0 : i32
    %dma_wait3A_474 = arith.constant 0 : i32
    %dma_wait3A_475 = arith.constant 0 : i32
    %dma_wait3A_476 = tpu.memref_slice %arg4[%dma_wait3A_473, %dma_wait3A_474, %dma_wait3A_475] : memref<4096x200x32xf32, #tpu.memory_space<hbm>> -> memref<8x200x32xf32, #tpu.memory_space<hbm>>
    tpu.wait_dma2 semaphore(%arg9 : memref<!tpu.dma_semaphore, #tpu.memory_space<semaphore_mem>>) src(%dma_wait3A_476 : memref<8x200x32xf32, #tpu.memory_space<hbm>>) dst(%dma_wait3A_472 : memref<8x200x32xf32, #tpu.memory_space<vmem>>)
    %dma_wait3A_477 = arith.constant 1 : i32
    %dma_wait3A_478 = arith.constant 0 : i32
    %dma_wait3A_479 = arith.constant 0 : i32
    %dma_wait3A_480 = arith.constant 0 : i32
    %dma_wait3A_481 = tpu.memref_slice %arg6[%dma_wait3A_477, %dma_wait3A_478, %dma_wait3A_479, %dma_wait3A_480] : memref<2x8x200x32xf32, #tpu.memory_space<vmem>> -> memref<1x8x200x32xf32, #tpu.memory_space<vmem>>
    %dma_wait3A_482 = tpu.memref_squeeze %dma_wait3A_481 : memref<1x8x200x32xf32, #tpu.memory_space<vmem>> -> memref<8x200x32xf32, #tpu.memory_space<vmem>>
    %dma_wait3A_483 = arith.constant 0 : i32
    %dma_wait3A_484 = arith.constant 0 : i32
    %dma_wait3A_485 = arith.constant 0 : i32
    %dma_wait3A_486 = tpu.memref_slice %arg4[%dma_wait3A_483, %dma_wait3A_484, %dma_wait3A_485] : memref<4096x200x32xf32, #tpu.memory_space<hbm>> -> memref<8x200x32xf32, #tpu.memory_space<hbm>>
    %dma_wait3A_487 = arith.constant 0 : i32
    %dma_wait3A_488 = arith.constant 0 : i32
    %dma_wait3A_489 = arith.constant 0 : i32
    %dma_wait3A_490 = tpu.memref_slice %arg6[%dma_wait3A_477, %dma_wait3A_487, %dma_wait3A_488, %dma_wait3A_489] : memref<2x8x200x32xf32, #tpu.memory_space<vmem>> -> memref<1x8x200x32xf32, #tpu.memory_space<vmem>>
    %dma_wait3A_491 = tpu.memref_squeeze %dma_wait3A_490 : memref<1x8x200x32xf32, #tpu.memory_space<vmem>> -> memref<8x200x32xf32, #tpu.memory_space<vmem>>
    %dma_wait3A_492 = arith.constant 0 : i32
    %dma_wait3A_493 = arith.constant 0 : i32
    %dma_wait3A_494 = arith.constant 0 : i32
    %dma_wait3A_495 = tpu.memref_slice %arg4[%dma_wait3A_492, %dma_wait3A_493, %dma_wait3A_494] : memref<4096x200x32xf32, #tpu.memory_space<hbm>> -> memref<8x200x32xf32, #tpu.memory_space<hbm>>
    tpu.wait_dma2 semaphore(%arg10 : memref<!tpu.dma_semaphore, #tpu.memory_space<semaphore_mem>>) src(%dma_wait3A_495 : memref<8x200x32xf32, #tpu.memory_space<hbm>>) dst(%dma_wait3A_491 : memref<8x200x32xf32, #tpu.memory_space<vmem>>)
    return
  }
}

</mosaic_0001>

<sc_bundles>
// kernel: _embed.3.cloned.1.call-start
scs
__scs_entry_jumppad:
0x0: {  	(pc) =	sbr.rel $0x88, $3  }
0x1: {  	(tag) =	ssettag $0x0;
	lr =	simm.s32 $0x1  }
0x2: {  	[smem:$0x3F9F] =	sst lr;
	_ =	strace $0xD0000000  }
0x3: {  	_ = 	snop  }
0x4: {  	_ = 	snop  }
0x5: {  	_ = 	snop  }
0x6: {  	_ = 	snop  }
0x7: {  	_ = 	snop  }
__scs_overlays_trampoline_lowered:
0x8: {  	[smem:$0x3FAE] =	sst s0  }
0x9: {  	[smem:$0x3FAF] =	sst s1  }
0xa: {  	[smem:$0x3FB0] =	sst s2  }
0xb: {  	[smem:$0x3FB1] =	sst s3  }
0xc: {  	[smem:$0x3FB2] =	sst s4  }
0xd: {  	[smem:$0x3FB3] =	sst s5  }
0xe: {  	[smem:$0x3FB4] =	sst s6  }
0xf: {  	[smem:$0x3FB5] =	sst s7  }
0x10: {  	[smem:$0x3FB6] =	sst s8  }
0x11: {  	[smem:$0x3FB7] =	sst s9;
	s0 =	simm.s32 @!p0 $0x0  }
0x12: {  	s1 =	sld [smem:$0x3F9D];
	s0 =	simm.s32 @p0 $0x1  }
0x13: {  	[smem:$0x3FB8] =	sst s0;
	s0 =	simm.s32 @!p1 $0x0  }
0x14: {  	s2 =	sld [smem:$0x3F9C];
	s0 =	simm.s32 @p1 $0x1  }
0x15: {  	[smem:$0x3FB9] =	sst s0;
	s0 =	simm.s32 @!p2 $0x0  }
0x16: {  	s3 =	sld [smem:$0x3FDB];
	s0 =	simm.s32 @p2 $0x1  }
0x17: {  	s4 =	simm.s32 $0x1BF5;
	[smem:$0x3FBB] =	sst s0  }
0x18: {  	s0 =	sld [smem:$0x3F9E];
	_ =	swait.ge [sflag:s4], $0x0  }
0x19: {  	s7 =	sld [smem:$0x3F9F]  }
0x1a: {  	s8 =	sadd.s32 $0xFFFFE003, lr  }
0x1b: {  	s9 =	sadd.s32 $0xFFFFFEF7, lr;
	s5 =	simm.s32 $0xFFFFFFFF;
	p2 =	slt.u32 s8, $0xFFFFF086  }
0x1c: {  	p1 =	slt.u32 s9, $0xF7A;
	s5 =	simm.s32 @!p2 $0x0  }
0x1d: {  	s5 =	simm.s32 @p1 $0x1;
	p0 =	seq.s32 s7, s2  }
0x1e: {  	s7 =	smul.u32 @!p0 $0xF7A, s2;
	p2 =	seq.s32 @!p0 s5, $0x0  }
0x1f: {  	s9 =	smul.u32 $0xF7A, s1;
	s8 =	simm.s32 @!p0 $0x1BF5;
	p2 =	por !p2, p0  }
0x20: {  	[sflag:s8] =	ssyncset.s32 @!p0 $0xFFFFF086;
	s6 =	sadd.s32 @!p0 s3, s7;
	s7 =	simm.s32 @!p0 $0x108  }
0x21: {  	s3 =	sadd.s32 s3, s9;
	s6 =	sadd.s32 @!p0 $0x88, s6;
	s7 =	simm.s32 @p2 $0x1082  }
0x22: {  	[simem:s7], [sflag:s8] =	dma.local @!p0 [hbm:s6], $0xF7A  }
0x23: {  	s9 =	sor.u32 $0xD0000000, s2;
	s6 =	simm.s32 $0x108;
	_ =	swait.ge @!p0 [sflag:s8], $0x0  }
0x24: {  	s3 =	sadd.s32 $0x88, s3;
	s6 =	simm.s32 @!p1 $0x1082;
	[sflag:s4] =	ssyncset.s32 $0xFFFFF086  }
0x25: {  	[simem:s6], [sflag:s4] =	dma.local [hbm:s3], $0xF7A  }
0x26: {  	[smem:$0x3F9F] =	sst s1;
	(tag) =	ssettag s2;
	_ =	strace s9  }
0x27: {  	s1 =	sld [smem:$0x3FAF]  }
0x28: {  	s2 =	sld [smem:$0x3FB0]  }
0x29: {  	s4 =	sld [smem:$0x3FB2]  }
0x2a: {  	p0 =	seq.s32 s5, $0x0;
	s5 =	sld [smem:$0x3FB3]  }
0x2b: {  	s6 =	sld [smem:$0x3FB4]  }
0x2c: {  	s7 =	sld [smem:$0x3FB5]  }
0x2d: {  	s3 =	simm.s32 $0x108;
	s8 =	sld [smem:$0x3FB6]  }
0x2e: {  	s3 =	simm.s32 @!p0 $0x1082;
	s9 =	sld [smem:$0x3FB7]  }
0x2f: {  	lr =	sadd.s32 s0, s3;
	s0 =	sld [smem:$0x3FAE]  }
0x30: {  	s3 =	sld [smem:$0x3FB1]  }
0x31: {  	[smem:$0x3FBA] =	sst s10  }
0x32: {  	s10 =	sld [smem:$0x3FB8];
	_ =	sdelay $0x3  }
0x33: {  	p0 =	seq.s32 s10, $0x1;
	s10 =	sld [smem:$0x3FBA];
	_ =	sdelay $0x3  }
0x34: {  	[smem:$0x3FBA] =	sst s10  }
0x35: {  	s10 =	sld [smem:$0x3FB9];
	_ =	sdelay $0x3  }
0x36: {  	p1 =	seq.s32 s10, $0x1;
	s10 =	sld [smem:$0x3FBA];
	_ =	sdelay $0x3  }
0x37: {  	[smem:$0x3FBA] =	sst s10  }
0x38: {  	s10 =	sld [smem:$0x3FBB]  }
0x39: {  	_ = 	snop;
	(pc) =	sbr.ind lr, $3  }
0x3a: {  	_ = 	snop  }
0x3b: {  	_ = 	snop  }
0x3c: {  	p2 =	seq.s32 s10, $0x1;
	s10 =	sld [smem:$0x3FBA]  }
0x3d: {  	_ =	shalt  }
0x3e: {  	_ =	shalt  }
0x3f: {  	_ =	shalt  }
0x40: {  	_ =	shalt  }
0x41: {  	_ =	shalt  }
0x42: {  	_ =	shalt  }
0x43: {  	_ =	shalt  }
0x44: {  	_ =	shalt  }
0x45: {  	_ =	shalt  }
0x46: {  	_ =	shalt  }
0x47: {  	_ =	shalt  }
0x48: {  	_ =	shalt  }
0x49: {  	_ =	shalt  }
0x4a: {  	_ =	shalt  }
0x4b: {  	_ =	shalt  }
0x4c: {  	_ =	shalt  }
0x4d: {  	_ =	shalt  }
0x4e: {  	_ =	shalt  }
0x4f: {  	_ =	shalt  }
0x50: {  	_ =	shalt  }
0x51: {  	_ =	shalt  }
0x52: {  	_ =	shalt  }
0x53: {  	_ =	shalt  }
0x54: {  	_ =	shalt  }
0x55: {  	_ =	shalt  }
0x56: {  	_ =	shalt  }
0x57: {  	_ =	shalt  }
0x58: {  	_ =	shalt  }
0x59: {  	_ =	shalt  }
0x5a: {  	_ =	shalt  }
0x5b: {  	_ =	shalt  }
0x5c: {  	_ =	shalt  }
0x5d: {  	_ =	shalt  }
0x5e: {  	_ =	shalt  }
0x5f: {  	_ =	shalt  }
0x60: {  	_ =	shalt  }
0x61: {  	_ =	shalt  }
0x62: {  	_ =	shalt  }
0x63: {  	_ =	shalt  }
0x64: {  	_ =	shalt  }
0x65: {  	_ =	shalt  }
0x66: {  	_ =	shalt  }
0x67: {  	_ =	shalt  }
0x68: {  	_ =	shalt  }
0x69: {  	_ =	shalt  }
0x6a: {  	_ =	shalt  }
0x6b: {  	_ =	shalt  }
0x6c: {  	_ =	shalt  }
0x6d: {  	_ =	shalt  }
0x6e: {  	_ =	shalt  }
0x6f: {  	_ =	shalt  }
0x70: {  	_ =	shalt  }
0x71: {  	_ =	shalt  }
0x72: {  	_ =	shalt  }
0x73: {  	_ =	shalt  }
0x74: {  	_ =	shalt  }
0x75: {  	_ =	shalt  }
0x76: {  	_ =	shalt  }
0x77: {  	_ =	shalt  }
0x78: {  	_ =	shalt  }
0x79: {  	_ =	shalt  }
0x7a: {  	_ =	shalt  }
0x7b: {  	_ =	shalt  }
0x7c: {  	_ =	shalt  }
0x7d: {  	_ =	shalt  }
0x7e: {  	_ =	shalt  }
0x7f: {  	_ =	shalt  }
0x80: {  	_ =	shalt  }
0x81: {  	_ =	shalt  }
0x82: {  	_ =	shalt  }
0x83: {  	_ =	shalt  }
0x84: {  	_ =	shalt  }
0x85: {  	_ =	shalt  }
0x86: {  	_ =	shalt  }
0x87: {  	_ =	shalt  }
.Lfunc_end0:
.L_simem_size_0:
called_computation.1_lowered:
.L_overlay_start_0:
0x88: {  	s2 =	sld [smem:$0x3FD9]  }
0x89: {  	s3 =	sld [smem:$0x3FFE];
	_ =	sdelay $0x1  }
0x8a: {  	s1 =	srdreg.scid  }
0x8b: {  	s0 =	sand.u32 $0x1, s1  }
0x8c: {  	s17 =	sshll.u32 s0, $0xA;
	s2 =	sadd.s32 s3, s2  }
0x8d: {  	s2 =	sadd.s32 s2, s17  }
0x8e: {  	[smem:$0x3FC6] =	sst s2  }
0x8f: {  	_ = 	snop  }
0x90: {  	s2 =	sld [smem:$0x3FD0];
	(tm) =	ssettm $0x1  }
0x91: {  	s18 =	sld [smem:$0x3FFB];
	_ =	sdelay $0x3  }
0x92: {  	_ =	strace s18  }
0x93: {  	s3 =	sld [smem:$0x3FFC];
	_ =	sdelay $0x3  }
0x94: {  	_ =	strace s3  }
0x95: {  	s3 =	sld [smem:$0x3FFD];
	_ =	sdelay $0x3  }
0x96: {  	_ =	strace s3  }
0x97: {  	_ =	strace $0x8FFFFFFF  }
0x98: {  	s19 =	sld [smem:$0x3FDB];
	_ =	sdelay $0x1  }
0x99: {  	s4 =	simm.s32 $_scs_section_size  }
0x9a: {  	s5 =	simm.s32 $_size__tile_overlayer_lowered;
	s6 =	simm.s32 $_tile_overlayer_lowered  }
0x9b: {  	s22 =	simm.s32 $0x1BFF;
	s21 =	sshll.u32 s6, $0x1;
	s3 =	sadd.s32 s4, s19  }
0x9c: {  	s7 =	simm.s32 $0x0;
	s20 =	sshll.u32 s5, $0x1;
	s5 =	sadd.s32 s21, s3  }
0x9d: {  	[timem:s7], [sflag:s22] =	dma.local [hbm:s5], s20  }
0x9e: {  	_ =	swait.ge [sflag:s22], s20  }
0x9f: {  	s4 =	ssub.s32 $0x0, s20;
	[sflag:s22] =	ssyncset.done $0x0  }
0xa0: {  	[sflag:s22] =	ssyncadd.s32 s4;
	_ =	sdelay $0x1  }
0xa1: {  	s23 =	simm.s32 $0x1B8B  }
0xa2: {  	_ =	swait.ge [sflag:s23], $0x1  }
0xa3: {  	[sflag:s23] =	ssyncset.done $0x0  }
0xa4: {  	s25 =	simm.s32 $0x1B8E;
	s24 =	sld [smem:$0x3FFE];
	[sflag:s23] =	ssyncadd.s32 $0xFFFFFFFF  }
0xa5: {  	s26 =	simm.s32 $execute0_lowered;
	[smem:$0x3FD2] =	sst s25  }
0xa6: {  	s5 =	sshll.u32 s26, $0x1;
	_ =	strace $0x80000046;
	[dreg:$0x1] =	wrdreg $0xFFFFFFFF  }
0xa7: {  	s28 =	simm.s32 $_size_execute0_lowered;
	s3 =	sadd.s32 s3, s5;
	[dreg:$0x0] =	wrdreg $0x0  }
0xa8: {  	s5 =	sshll.u32 s28, $0x1;
	[dreg:$0x2] =	wrdreg s3  }
0xa9: {  	[dreg:$0x3] =	wrdreg s5  }
0xaa: {  	[dreg:$0x4] =	wrdreg $0xC0  }
0xab: {  	_ =	task [dreg:s7], $0x5FFFF  }
0xac: {  	[dreg:$0x1] =	wrdreg $0xFFFFFFFF  }
0xad: {  	[dreg:$0x0] =	wrdreg $0x60  }
0xae: {  	[dreg:$0x2] =	wrdreg s24  }
0xaf: {  	[dreg:$0x3] =	wrdreg s2  }
0xb0: {  	[dreg:$0x4] =	wrdreg $0x9  }
0xb1: {  	_ =	task.clear_ibuf [dreg:s7], $0x5FFFF;
	_ =	strace $0x90000046  }
0xb2: {  	s29 =	simm.s32 $0x9;
	_ =	strace $0x80000048  }
0xb3: {  	_ =	swait.ge [sflag:s29], $0x1  }
0xb4: {  	[sflag:s29] =	ssyncadd.s32 $0xFFFFFFFF  }
0xb5: {  	_ =	strace $0x90000048  }
0xb6: {  	_ =	sfence  }
0xb7: {  	s30 =	sld [smem:$0x0];
	_ =	sdelay $0x2  }
0xb8: {  	s31 =	sshll.u32 s1, $0xD;
	s1 =	sshrl.u32 s1, $0x2  }
0xb9: {  	s3 =	sand.u32 $0x4000, s31;
	s1 =	sadd.s32 s1, s30  }
0xba: {  	s0 =	sor.u32 s3, s0;
	s1 =	sshll.u32 s1, $0x11  }
0xbb: {  	s0 =	sor.u32 s1, s0  }
0xbc: {  	s0 =	sadd.s32 $0x8F2B, s0  }
0xbd: {  	[sflag:s0] =	ssyncadd.remote.s32 $0x1  }
0xbe: {  	_ =	sfence.sel $0xFFFF  }
0xbf: {  	[dreg:$0x0] =	wrdreg $0xFFFFFFFF;
	(pc) =	sbr.abs _section_cstart, $3  }
0xc0: {  	[dreg:$0x1] =	wrdreg $0xFFFFFFFF  }
0xc1: {  	_ =	task.clear_ibuf [dreg:s7], $0x2FFFF;
	_ =	strace $0x9FFFFFFF  }
0xc2: {  	(tm) =	ssettm $0x7FFFFFFF  }
0xc3: {  	_ =	shalt  }
tec
execute0_lowered:
.L_overlay_start_1:
0x0: {  	(tag) =	ssettag $0x1  }
0x1: {  	s0 =	srdreg.scid  }
0x2: {  	s1 =	rddreg [dreg:$0x0];
	s9 =	stileid.u32  }
0x3: {  	s4 =	rddreg [dreg:$0x1];
	s2 =	simm.s32 $0x0;
	s11 =	simm.s32 $0x48  }
0x4: {  	s19 =	simm.s32 $0x7400;
	s23 =	simm.s32 $0x7D00;
	s17 =	simm.s32 $0x8D00  }
0x5: {  	s13 =	simm.s32 $0xA600;
	s28 =	simm.s32 $0xAF00;
	s21 =	simm.s32 $0xBF00  }
0x6: {  	s12 =	simm.s32 $0x10A00;
	s14 =	simm.s32 $0x11300;
	s16 =	simm.s32 $0x12300  }
0x7: {  	s18 =	simm.s32 $0x13C00;
	s20 =	simm.s32 $0x14500;
	s31 =	simm.s32 $0x15E00  }
0x8: {  	s15 =	simm.s32 $0x16E00;
	s22 =	simm.s32 $0x1;
	s29 =	simm.s32 $0x4  }
0x9: {  	s10 =	simm.s32 $0x0;
	s0 =	sand.u32 $0x1, s0;
	s3 =	sshll.u32 s9, $0x8  }
0xa: {  	[smem:$0x7FF] =	sst s2;
	s9 =	smul.u32 $0x32000, s9;
	s5 =	sshll.u32 s0, $0x7  }
0xb: {  	s6 =	ssub.s32 $0x2, s0;
	s0 =	smul.u32 $0x19000, s0;
	s3 =	sor.u32 s5, s3  }
0xc: {  	s2 =	simm.s32 $0x15500;
	_ =	strace $0x80000047;
	s5 =	smul.u32 $0x19, s3  }
0xd: {  	s8 =	sshrl.u32 s6, $0x1;
	s7 =	smul.u32 $0x320, s3;
	s3 =	sadd.s32 $0xF42E00, s1  }
0xe: {  	s24 =	ssub.s32 s6, s8;
	s6 =	simm.s32 $0xE100;
	s8 =	simm.s32 $0xFA00  }
0xf: {  	s5 =	sadd.s32 s5, s1;
	s25 =	sadd.s32 s4, s7;
	s4 =	sadd.s32 s9, s4  }
0x10: {  	s1 =	smax.u32 s24, $0x1;
	s9 =	simm.s32 $0x80;
	s7 =	simm.s32 $0xF100  }
0x11: {  	s24 =	simm.s32 $0x3;
	s5 =	sadd.s32 $0xA00, s5;
	[dreg:$0x5] =	wrdreg s1  }
0x12: {  	s26 =	sadd.s32 $0x15E00, s25;
	s0 =	sadd.s32 s0, s4;
	[dreg:$0x4] =	wrdreg s5  }
0x13: {  	s30 =	sadd.s32 $0x17700, s25;
	s25 =	simm.s32 $0x9600;
	[dreg:$0x6] =	wrdreg s26  }
0x14: {  	s4 =	simm.s32 $0xC800;
	s1 =	simm.s32 $0x12C00;
	[dreg:$0x7] =	wrdreg s30  }
0x15: {  	[dreg:$0x3] =	wrdreg s0;
	s5 =	simm.s32 $0xD800;
	s26 =	simm.s32 $0x2  }
.LBB2_1:
0x16: {  	[dreg:$0x8] =	wrdreg s10  }
0x17: {  	s0 =	rddreg [dreg:$0x4];
	s30 =	simm.s32 $0x0;
	s10 =	simm.s32 $0x5  }
0x18: {  	[tilespmem:s30], [sflag:$0x5] =	stream.linear.gather [hbm4b:s0+s30], $0x6400, $0x38;
	[tilespmem:$0x1F400] =	vst v63  }
0x19: {  	_ =	swait.ge [sflag:s10], $0x6400  }
0x1a: {  	[sflag:s10] =	ssyncset.done $0x0  }
0x1b: {  	[sflag:s10] =	ssyncadd.s32 $0xFFFF9C00;
	s10 =	simm.s32 $0x6400  }
0x1c: {  	[tilespmem:s10], [sflag:$0x1] =	stream.indirect.gather [hbm4b:s3+s9], $0x20, s30, s9, $0xb8;
	[tilespmem:$0x1F400] =	vst v63  }
0x1d: {  	_ = 	snop  }
0x1e: {  	[tilespmem:s19], [sflag:$0x1] =	stream.indirect.gather [hbm4b:s3+s11], $0x20, s9, s11, $0xb8;
	[tilespmem:$0x1F400] =	vst v63  }
0x1f: {  	s0 =	simm.s32 $0xC8  }
0x20: {  	[tilespmem:s23], [sflag:$0x1] =	stream.indirect.gather [hbm4b:s3+s9], $0x20, s0, s9, $0xb8;
	[tilespmem:$0x1F400] =	vst v63  }
0x21: {  	s0 =	simm.s32 $0x148  }
0x22: {  	[tilespmem:s17], [sflag:$0x1] =	stream.indirect.gather [hbm4b:s3+s11], $0x20, s0, s11, $0xb8;
	[tilespmem:$0x1F400] =	vst v63  }
0x23: {  	s0 =	simm.s32 $0x190  }
0x24: {  	[tilespmem:s25], [sflag:$0x1] =	stream.indirect.gather [hbm4b:s3+s9], $0x20, s0, s9, $0xb8;
	[tilespmem:$0x1F400] =	vst v63  }
0x25: {  	s0 =	simm.s32 $0x210  }
0x26: {  	[tilespmem:s13], [sflag:$0x1] =	stream.indirect.gather [hbm4b:s3+s11], $0x20, s0, s11, $0xb8;
	[tilespmem:$0x1F400] =	vst v63  }
0x27: {  	s0 =	simm.s32 $0x258  }
0x28: {  	[tilespmem:s28], [sflag:$0x1] =	stream.indirect.gather [hbm4b:s3+s9], $0x20, s0, s9, $0xb8;
	[tilespmem:$0x1F400] =	vst v63  }
0x29: {  	s0 =	simm.s32 $0x2D8  }
0x2a: {  	[tilespmem:s21], [sflag:$0x1] =	stream.indirect.gather [hbm4b:s3+s11], $0x20, s0, s11, $0xb8;
	[tilespmem:$0x1F400] =	vst v63  }
0x2b: {  	s0 =	simm.s32 $0x320  }
0x2c: {  	[tilespmem:s4], [sflag:$0x1] =	stream.indirect.gather [hbm4b:s3+s9], $0x20, s0, s9, $0xb8;
	[tilespmem:$0x1F400] =	vst v63  }
0x2d: {  	s0 =	simm.s32 $0x3A0  }
0x2e: {  	[tilespmem:s5], [sflag:$0x1] =	stream.indirect.gather [hbm4b:s3+s11], $0x20, s0, s11, $0xb8;
	[tilespmem:$0x1F400] =	vst v63  }
0x2f: {  	s0 =	simm.s32 $0x3E8  }
0x30: {  	[tilespmem:s6], [sflag:$0x1] =	stream.indirect.gather [hbm4b:s3+s9], $0x20, s0, s9, $0xb8;
	[tilespmem:$0x1F400] =	vst v63  }
0x31: {  	s0 =	simm.s32 $0x468  }
0x32: {  	[tilespmem:s7], [sflag:$0x1] =	stream.indirect.gather [hbm4b:s3+s11], $0x20, s0, s11, $0xb8;
	[tilespmem:$0x1F400] =	vst v63  }
0x33: {  	s0 =	simm.s32 $0x4B0  }
0x34: {  	[tilespmem:s8], [sflag:$0x1] =	stream.indirect.gather [hbm4b:s3+s9], $0x20, s0, s9, $0xb8;
	[tilespmem:$0x1F400] =	vst v63  }
0x35: {  	s0 =	simm.s32 $0x530  }
0x36: {  	[tilespmem:s12], [sflag:$0x1] =	stream.indirect.gather [hbm4b:s3+s11], $0x20, s0, s11, $0xb8;
	[tilespmem:$0x1F400] =	vst v63  }
0x37: {  	s0 =	simm.s32 $0x578  }
0x38: {  	[tilespmem:s14], [sflag:$0x1] =	stream.indirect.gather [hbm4b:s3+s9], $0x20, s0, s9, $0xb8;
	[tilespmem:$0x1F400] =	vst v63  }
0x39: {  	s0 =	simm.s32 $0x5F8  }
0x3a: {  	[tilespmem:s16], [sflag:$0x1] =	stream.indirect.gather [hbm4b:s3+s11], $0x20, s0, s11, $0xb8;
	[tilespmem:$0x1F400] =	vst v63  }
0x3b: {  	s0 =	simm.s32 $0x640  }
0x3c: {  	[tilespmem:s1], [sflag:$0x2] =	stream.indirect.gather [hbm4b:s3+s9], $0x20, s0, s9, $0xb8;
	[tilespmem:$0x1F400] =	vst v63  }
0x3d: {  	s0 =	simm.s32 $0x6C0  }
0x3e: {  	[tilespmem:s18], [sflag:$0x2] =	stream.indirect.gather [hbm4b:s3+s11], $0x20, s0, s11, $0xb8;
	[tilespmem:$0x1F400] =	vst v63  }
0x3f: {  	s0 =	simm.s32 $0x708  }
0x40: {  	[tilespmem:s20], [sflag:$0x2] =	stream.indirect.gather [hbm4b:s3+s9], $0x20, s0, s9, $0xb8;
	[tilespmem:$0x1F400] =	vst v63  }
0x41: {  	s0 =	simm.s32 $0x788  }
0x42: {  	[tilespmem:s2], [sflag:$0x2] =	stream.indirect.gather [hbm4b:s3+s11], $0x20, s0, s11, $0xb8;
	[tilespmem:$0x1F400] =	vst v63  }
0x43: {  	s0 =	simm.s32 $0x7D0  }
0x44: {  	[tilespmem:s31], [sflag:$0x2] =	stream.indirect.gather [hbm4b:s3+s9], $0x20, s0, s9, $0xb8;
	[tilespmem:$0x1F400] =	vst v63  }
0x45: {  	s0 =	simm.s32 $0x850  }
0x46: {  	[tilespmem:s15], [sflag:$0x2] =	stream.indirect.gather [hbm4b:s3+s11], $0x20, s0, s11, $0xb8;
	[tilespmem:$0x1F400] =	vst v63  }
0x47: {  	s15 =	simm.s32 $0x17700;
	s0 =	simm.s32 $0x898  }
0x48: {  	[tilespmem:s15], [sflag:$0x2] =	stream.indirect.gather [hbm4b:s3+s9], $0x20, s0, s9, $0xb8;
	[tilespmem:$0x1F400] =	vst v63  }
0x49: {  	s15 =	simm.s32 $0x18700;
	s0 =	simm.s32 $0x918  }
0x4a: {  	[tilespmem:s15], [sflag:$0x2] =	stream.indirect.gather [hbm4b:s3+s11], $0x20, s0, s11, $0xb8;
	[tilespmem:$0x1F400] =	vst v63  }
0x4b: {  	s15 =	simm.s32 $0x19000;
	s0 =	simm.s32 $0x960  }
0x4c: {  	[tilespmem:s15], [sflag:$0x2] =	stream.indirect.gather [hbm4b:s3+s9], $0x20, s0, s9, $0xb8;
	[tilespmem:$0x1F400] =	vst v63  }
0x4d: {  	s15 =	simm.s32 $0x1A000;
	s0 =	simm.s32 $0x9E0  }
0x4e: {  	[tilespmem:s15], [sflag:$0x2] =	stream.indirect.gather [hbm4b:s3+s11], $0x20, s0, s11, $0xb8;
	[tilespmem:$0x1F400] =	vst v63  }
0x4f: {  	s15 =	simm.s32 $0x1A900;
	s0 =	simm.s32 $0xA28  }
0x50: {  	[tilespmem:s15], [sflag:$0x2] =	stream.indirect.gather [hbm4b:s3+s9], $0x20, s0, s9, $0xb8;
	[tilespmem:$0x1F400] =	vst v63  }
0x51: {  	s15 =	simm.s32 $0x1B900;
	s0 =	simm.s32 $0xAA8  }
0x52: {  	[tilespmem:s15], [sflag:$0x2] =	stream.indirect.gather [hbm4b:s3+s11], $0x20, s0, s11, $0xb8;
	[tilespmem:$0x1F400] =	vst v63  }
0x53: {  	s15 =	simm.s32 $0x1C200;
	s0 =	simm.s32 $0xAF0  }
0x54: {  	[tilespmem:s15], [sflag:$0x2] =	stream.indirect.gather [hbm4b:s3+s9], $0x20, s0, s9, $0xb8;
	[tilespmem:$0x1F400] =	vst v63  }
0x55: {  	s15 =	simm.s32 $0x1D200;
	s0 =	simm.s32 $0xB70  }
0x56: {  	[tilespmem:s15], [sflag:$0x2] =	stream.indirect.gather [hbm4b:s3+s11], $0x20, s0, s11, $0xb8;
	[tilespmem:$0x1F400] =	vst v63  }
0x57: {  	s15 =	simm.s32 $0x1DB00;
	s0 =	simm.s32 $0xBB8  }
0x58: {  	[tilespmem:s15], [sflag:$0x2] =	stream.indirect.gather [hbm4b:s3+s9], $0x20, s0, s9, $0xb8;
	[tilespmem:$0x1F400] =	vst v63  }
0x59: {  	s0 =	simm.s32 $0x1EB00;
	s15 =	simm.s32 $0xC38  }
0x5a: {  	[tilespmem:s0], [sflag:$0x2] =	stream.indirect.gather [hbm4b:s3+s11], $0x20, s15, s11, $0xb8;
	[tilespmem:$0x1F400] =	vst v63  }
0x5b: {  	_ =	swait.ge [sflag:s22], $0xC800  }
0x5c: {  	s15 =	rddreg [dreg:$0x3];
	[sflag:s22] =	ssyncset.done $0x0  }
0x5d: {  	[sflag:s22] =	ssyncadd.s32 $0xFFFF3800;
	s0 =	sadd.s32 $0x0, s15  }
0x5e: {  	[hbm4b:s0+s30] =	stream.linear.scatter [tilespmem:s10], [sflag:$0x3], $0xC800, $0x38;
	[tilespmem:$0x1F400] =	vst v63  }
0x5f: {  	_ =	swait.ge [sflag:s24], $0xC800  }
0x60: {  	[sflag:s24] =	ssyncset.done $0x0  }
0x61: {  	s15 =	simm.s32 $0xC80;
	[sflag:s24] =	ssyncadd.s32 $0xFFFF3800  }
0x62: {  	[tilespmem:s10], [sflag:$0x1] =	stream.indirect.gather [hbm4b:s3+s9], $0x20, s15, s9, $0xb8;
	[tilespmem:$0x1F400] =	vst v63  }
0x63: {  	s10 =	simm.s32 $0xD00  }
0x64: {  	[tilespmem:s19], [sflag:$0x1] =	stream.indirect.gather [hbm4b:s3+s11], $0x20, s10, s11, $0xb8;
	[tilespmem:$0x1F400] =	vst v63  }
0x65: {  	s19 =	simm.s32 $0xD48  }
0x66: {  	[tilespmem:s23], [sflag:$0x1] =	stream.indirect.gather [hbm4b:s3+s9], $0x20, s19, s9, $0xb8;
	[tilespmem:$0x1F400] =	vst v63  }
0x67: {  	s10 =	simm.s32 $0xDC8  }
0x68: {  	[tilespmem:s17], [sflag:$0x1] =	stream.indirect.gather [hbm4b:s3+s11], $0x20, s10, s11, $0xb8;
	[tilespmem:$0x1F400] =	vst v63  }
0x69: {  	s17 =	simm.s32 $0xE10  }
0x6a: {  	[tilespmem:s25], [sflag:$0x1] =	stream.indirect.gather [hbm4b:s3+s9], $0x20, s17, s9, $0xb8;
	[tilespmem:$0x1F400] =	vst v63  }
0x6b: {  	s19 =	simm.s32 $0xE90  }
0x6c: {  	[tilespmem:s13], [sflag:$0x1] =	stream.indirect.gather [hbm4b:s3+s11], $0x20, s19, s11, $0xb8;
	[tilespmem:$0x1F400] =	vst v63  }
0x6d: {  	s23 =	simm.s32 $0xED8  }
0x6e: {  	[tilespmem:s28], [sflag:$0x1] =	stream.indirect.gather [hbm4b:s3+s9], $0x20, s23, s9, $0xb8;
	[tilespmem:$0x1F400] =	vst v63  }
0x6f: {  	s25 =	simm.s32 $0xF58  }
0x70: {  	[tilespmem:s21], [sflag:$0x1] =	stream.indirect.gather [hbm4b:s3+s11], $0x20, s25, s11, $0xb8;
	[tilespmem:$0x1F400] =	vst v63  }
0x71: {  	s28 =	simm.s32 $0xFA0  }
0x72: {  	[tilespmem:s4], [sflag:$0x1] =	stream.indirect.gather [hbm4b:s3+s9], $0x20, s28, s9, $0xb8;
	[tilespmem:$0x1F400] =	vst v63  }
0x73: {  	s4 =	simm.s32 $0x1020  }
0x74: {  	[tilespmem:s5], [sflag:$0x1] =	stream.indirect.gather [hbm4b:s3+s11], $0x20, s4, s11, $0xb8;
	[tilespmem:$0x1F400] =	vst v63  }
0x75: {  	s5 =	simm.s32 $0x1068  }
0x76: {  	[tilespmem:s6], [sflag:$0x1] =	stream.indirect.gather [hbm4b:s3+s9], $0x20, s5, s9, $0xb8;
	[tilespmem:$0x1F400] =	vst v63  }
0x77: {  	s6 =	simm.s32 $0x10E8  }
0x78: {  	[tilespmem:s7], [sflag:$0x1] =	stream.indirect.gather [hbm4b:s3+s11], $0x20, s6, s11, $0xb8;
	[tilespmem:$0x1F400] =	vst v63  }
0x79: {  	s7 =	simm.s32 $0x1130  }
0x7a: {  	[tilespmem:s8], [sflag:$0x1] =	stream.indirect.gather [hbm4b:s3+s9], $0x20, s7, s9, $0xb8;
	[tilespmem:$0x1F400] =	vst v63  }
0x7b: {  	s10 =	simm.s32 $0x11B0  }
0x7c: {  	[tilespmem:s12], [sflag:$0x1] =	stream.indirect.gather [hbm4b:s3+s11], $0x20, s10, s11, $0xb8;
	[tilespmem:$0x1F400] =	vst v63  }
0x7d: {  	s13 =	simm.s32 $0x11F8  }
0x7e: {  	[tilespmem:s14], [sflag:$0x1] =	stream.indirect.gather [hbm4b:s3+s9], $0x20, s13, s9, $0xb8;
	[tilespmem:$0x1F400] =	vst v63  }
0x7f: {  	s17 =	simm.s32 $0x1278  }
0x80: {  	[tilespmem:s16], [sflag:$0x1] =	stream.indirect.gather [hbm4b:s3+s11], $0x20, s17, s11, $0xb8;
	[tilespmem:$0x1F400] =	vst v63  }
0x81: {  	_ =	swait.ge [sflag:s26], $0xC800  }
0x82: {  	[sflag:s26] =	ssyncset.done $0x0  }
0x83: {  	s0 =	sadd.s32 $0x1900, s0;
	[sflag:s26] =	ssyncadd.s32 $0xFFFF3800  }
0x84: {  	[hbm4b:s0+s30] =	stream.linear.scatter [tilespmem:s1], [sflag:$0x4], $0xC800, $0x38;
	[tilespmem:$0x1F400] =	vst v63  }
0x85: {  	_ =	swait.ge [sflag:s29], $0xC800  }
0x86: {  	[sflag:s29] =	ssyncset.done $0x0  }
0x87: {  	s19 =	simm.s32 $0x12C0;
	[sflag:s29] =	ssyncadd.s32 $0xFFFF3800  }
0x88: {  	[tilespmem:s1], [sflag:$0x2] =	stream.indirect.gather [hbm4b:s3+s9], $0x20, s19, s9, $0xb8;
	[tilespmem:$0x1F400] =	vst v63  }
0x89: {  	s21 =	simm.s32 $0x1340  }
0x8a: {  	[tilespmem:s18], [sflag:$0x2] =	stream.indirect.gather [hbm4b:s3+s11], $0x20, s21, s11, $0xb8;
	[tilespmem:$0x1F400] =	vst v63  }
0x8b: {  	s15 =	simm.s32 $0x16A8;
	s23 =	simm.s32 $0x1388  }
0x8c: {  	[tilespmem:s20], [sflag:$0x2] =	stream.indirect.gather [hbm4b:s3+s9], $0x20, s23, s9, $0xb8;
	[tilespmem:$0x1F400] =	vst v63  }
0x8d: {  	s25 =	simm.s32 $0x1408;
	s28 =	simm.s32 $0x1450;
	s4 =	simm.s32 $0x16E00  }
0x8e: {  	[tilespmem:s2], [sflag:$0x2] =	stream.indirect.gather [hbm4b:s3+s11], $0x20, s25, s11, $0xb8;
	[tilespmem:$0x1F400] =	vst v63  }
0x8f: {  	s5 =	simm.s32 $0x1518;
	s6 =	simm.s32 $0x17700;
	s7 =	simm.s32 $0x1598  }
0x90: {  	[tilespmem:s31], [sflag:$0x2] =	stream.indirect.gather [hbm4b:s3+s9], $0x20, s28, s9, $0xb8;
	[tilespmem:$0x1F400] =	vst v63  }
0x91: {  	s8 =	simm.s32 $0x18700;
	s10 =	simm.s32 $0x15E0;
	s2 =	simm.s32 $0x14D0  }
0x92: {  	[tilespmem:s4], [sflag:$0x2] =	stream.indirect.gather [hbm4b:s3+s11], $0x20, s2, s11, $0xb8;
	[tilespmem:$0x1F400] =	vst v63  }
0x93: {  	s12 =	simm.s32 $0x19000;
	s13 =	simm.s32 $0x1660;
	s14 =	simm.s32 $0x1A000  }
0x94: {  	[tilespmem:s6], [sflag:$0x2] =	stream.indirect.gather [hbm4b:s3+s9], $0x20, s5, s9, $0xb8;
	[tilespmem:$0x1F400] =	vst v63  }
0x95: {  	s16 =	simm.s32 $0x1A900;
	s17 =	simm.s32 $0x1728;
	s0 =	simm.s32 $0x18B8  }
0x96: {  	[tilespmem:s8], [sflag:$0x2] =	stream.indirect.gather [hbm4b:s3+s11], $0x20, s7, s11, $0xb8;
	[tilespmem:$0x1F400] =	vst v63  }
0x97: {  	s30 =	simm.s32 $0xAF00;
	s19 =	simm.s32 $0x1770;
	s18 =	simm.s32 $0x1B900  }
0x98: {  	[tilespmem:s12], [sflag:$0x2] =	stream.indirect.gather [hbm4b:s3+s9], $0x20, s10, s9, $0xb8;
	[tilespmem:$0x1F400] =	vst v63  }
0x99: {  	s21 =	simm.s32 $0x17F0;
	s20 =	simm.s32 $0x1C200;
	s23 =	simm.s32 $0x1D200  }
0x9a: {  	[tilespmem:s14], [sflag:$0x2] =	stream.indirect.gather [hbm4b:s3+s11], $0x20, s13, s11, $0xb8;
	[tilespmem:$0x1F400] =	vst v63  }
0x9b: {  	s25 =	simm.s32 $0x1838;
	s28 =	simm.s32 $0x1DB00;
	s31 =	simm.s32 $0x3200  }
0x9c: {  	[tilespmem:s16], [sflag:$0x2] =	stream.indirect.gather [hbm4b:s3+s9], $0x20, s15, s9, $0xb8;
	[tilespmem:$0x1F400] =	vst v63  }
0x9d: {  	s4 =	simm.s32 $0xC800;
	s2 =	simm.s32 $0x15500;
	s5 =	simm.s32 $0xD800  }
0x9e: {  	[tilespmem:s18], [sflag:$0x2] =	stream.indirect.gather [hbm4b:s3+s11], $0x20, s17, s11, $0xb8;
	[tilespmem:$0x1F400] =	vst v63  }
0x9f: {  	s6 =	simm.s32 $0xE100;
	s7 =	simm.s32 $0xF100;
	s8 =	simm.s32 $0xFA00  }
0xa0: {  	[tilespmem:s20], [sflag:$0x2] =	stream.indirect.gather [hbm4b:s3+s9], $0x20, s19, s9, $0xb8;
	[tilespmem:$0x1F400] =	vst v63  }
0xa1: {  	s12 =	simm.s32 $0x10A00;
	s13 =	simm.s32 $0xA600;
	s14 =	simm.s32 $0x11300  }
0xa2: {  	[tilespmem:s23], [sflag:$0x2] =	stream.indirect.gather [hbm4b:s3+s11], $0x20, s21, s11, $0xb8;
	[tilespmem:$0x1F400] =	vst v63  }
0xa3: {  	s16 =	simm.s32 $0x12300;
	s18 =	simm.s32 $0x13C00;
	s20 =	simm.s32 $0x14500  }
0xa4: {  	[tilespmem:s28], [sflag:$0x2] =	stream.indirect.gather [hbm4b:s3+s9], $0x20, s25, s9, $0xb8;
	[tilespmem:$0x1F400] =	vst v63  }
0xa5: {  	s21 =	simm.s32 $0xBF00;
	s23 =	simm.s32 $0x7400;
	s25 =	simm.s32 $0x9600  }
.LBB2_2:
0xa6: {  	s10 =	simm.s32 $0x1EB00  }
0xa7: {  	[tilespmem:s10], [sflag:$0x2] =	stream.indirect.gather [hbm4b:s3+s11], $0x20, s0, s11, $0xb8;
	[tilespmem:$0x1F400] =	vst v63  }
0xa8: {  	s19 =	smov.u32 s31;
	_ =	swait.ge [sflag:s22], $0xC800  }
0xa9: {  	s17 =	simm.s32 $0x6400;
	s15 =	rddreg [dreg:$0x3];
	[sflag:s22] =	ssyncset.done $0x0  }
0xaa: {  	s10 =	simm.s32 $0x0;
	[sflag:s22] =	ssyncadd.s32 $0xFFFF3800;
	s15 =	sadd.s32 s19, s15  }
0xab: {  	[hbm4b:s15+s10] =	stream.linear.scatter [tilespmem:s17], [sflag:$0x3], $0xC800, $0x38;
	[tilespmem:$0x1F400] =	vst v63  }
0xac: {  	_ =	swait.ge [sflag:s24], $0xC800  }
0xad: {  	s0 =	sshra.s32 s19, $0x2;
	[sflag:s24] =	ssyncset.done $0x0  }
0xae: {  	s19 =	sadd.s32 $0xC80, s0;
	[sflag:s24] =	ssyncadd.s32 $0xFFFF3800  }
0xaf: {  	[tilespmem:s17], [sflag:$0x1] =	stream.indirect.gather [hbm4b:s3+s9], $0x20, s19, s9, $0xb8;
	[tilespmem:$0x1F400] =	vst v63  }
0xb0: {  	s17 =	sadd.s32 $0xD00, s0  }
0xb1: {  	[tilespmem:s23], [sflag:$0x1] =	stream.indirect.gather [hbm4b:s3+s11], $0x20, s17, s11, $0xb8;
	[tilespmem:$0x1F400] =	vst v63  }
0xb2: {  	s19 =	sadd.s32 $0xD48, s0;
	s17 =	simm.s32 $0x7D00  }
0xb3: {  	[tilespmem:s17], [sflag:$0x1] =	stream.indirect.gather [hbm4b:s3+s9], $0x20, s19, s9, $0xb8;
	[tilespmem:$0x1F400] =	vst v63  }
0xb4: {  	s19 =	sadd.s32 $0xDC8, s0;
	s17 =	simm.s32 $0x8D00  }
0xb5: {  	[tilespmem:s17], [sflag:$0x1] =	stream.indirect.gather [hbm4b:s3+s11], $0x20, s19, s11, $0xb8;
	[tilespmem:$0x1F400] =	vst v63  }
0xb6: {  	s17 =	sadd.s32 $0xE10, s0  }
0xb7: {  	[tilespmem:s25], [sflag:$0x1] =	stream.indirect.gather [hbm4b:s3+s9], $0x20, s17, s9, $0xb8;
	[tilespmem:$0x1F400] =	vst v63  }
0xb8: {  	s17 =	sadd.s32 $0xE90, s0  }
0xb9: {  	[tilespmem:s13], [sflag:$0x1] =	stream.indirect.gather [hbm4b:s3+s11], $0x20, s17, s11, $0xb8;
	[tilespmem:$0x1F400] =	vst v63  }
0xba: {  	s17 =	sadd.s32 $0xED8, s0  }
0xbb: {  	[tilespmem:s30], [sflag:$0x1] =	stream.indirect.gather [hbm4b:s3+s9], $0x20, s17, s9, $0xb8;
	[tilespmem:$0x1F400] =	vst v63  }
0xbc: {  	s17 =	sadd.s32 $0xF58, s0  }
0xbd: {  	[tilespmem:s21], [sflag:$0x1] =	stream.indirect.gather [hbm4b:s3+s11], $0x20, s17, s11, $0xb8;
	[tilespmem:$0x1F400] =	vst v63  }
0xbe: {  	s17 =	sadd.s32 $0xFA0, s0  }
0xbf: {  	[tilespmem:s4], [sflag:$0x1] =	stream.indirect.gather [hbm4b:s3+s9], $0x20, s17, s9, $0xb8;
	[tilespmem:$0x1F400] =	vst v63  }
0xc0: {  	s17 =	sadd.s32 $0x1020, s0  }
0xc1: {  	[tilespmem:s5], [sflag:$0x1] =	stream.indirect.gather [hbm4b:s3+s11], $0x20, s17, s11, $0xb8;
	[tilespmem:$0x1F400] =	vst v63  }
0xc2: {  	s17 =	sadd.s32 $0x1068, s0  }
0xc3: {  	[tilespmem:s6], [sflag:$0x1] =	stream.indirect.gather [hbm4b:s3+s9], $0x20, s17, s9, $0xb8;
	[tilespmem:$0x1F400] =	vst v63  }
0xc4: {  	s17 =	sadd.s32 $0x10E8, s0  }
0xc5: {  	[tilespmem:s7], [sflag:$0x1] =	stream.indirect.gather [hbm4b:s3+s11], $0x20, s17, s11, $0xb8;
	[tilespmem:$0x1F400] =	vst v63  }
0xc6: {  	s17 =	sadd.s32 $0x1130, s0  }
0xc7: {  	[tilespmem:s8], [sflag:$0x1] =	stream.indirect.gather [hbm4b:s3+s9], $0x20, s17, s9, $0xb8;
	[tilespmem:$0x1F400] =	vst v63  }
0xc8: {  	s17 =	sadd.s32 $0x11B0, s0  }
0xc9: {  	[tilespmem:s12], [sflag:$0x1] =	stream.indirect.gather [hbm4b:s3+s11], $0x20, s17, s11, $0xb8;
	[tilespmem:$0x1F400] =	vst v63  }
0xca: {  	s17 =	sadd.s32 $0x11F8, s0  }
0xcb: {  	[tilespmem:s14], [sflag:$0x1] =	stream.indirect.gather [hbm4b:s3+s9], $0x20, s17, s9, $0xb8;
	[tilespmem:$0x1F400] =	vst v63  }
0xcc: {  	s17 =	sadd.s32 $0x1278, s0  }
0xcd: {  	[tilespmem:s16], [sflag:$0x1] =	stream.indirect.gather [hbm4b:s3+s11], $0x20, s17, s11, $0xb8;
	[tilespmem:$0x1F400] =	vst v63  }
0xce: {  	_ =	swait.ge [sflag:s26], $0xC800  }
0xcf: {  	[sflag:s26] =	ssyncset.done $0x0  }
0xd0: {  	s15 =	sadd.s32 $0x1900, s15;
	[sflag:s26] =	ssyncadd.s32 $0xFFFF3800  }
0xd1: {  	[hbm4b:s15+s10] =	stream.linear.scatter [tilespmem:s1], [sflag:$0x4], $0xC800, $0x38;
	[tilespmem:$0x1F400] =	vst v63  }
0xd2: {  	_ =	swait.ge [sflag:s29], $0xC800  }
0xd3: {  	[sflag:s29] =	ssyncset.done $0x0  }
0xd4: {  	s10 =	sadd.s32 $0x12C0, s0;
	[sflag:s29] =	ssyncadd.s32 $0xFFFF3800  }
0xd5: {  	[tilespmem:s1], [sflag:$0x2] =	stream.indirect.gather [hbm4b:s3+s9], $0x20, s10, s9, $0xb8;
	[tilespmem:$0x1F400] =	vst v63  }
0xd6: {  	s17 =	sadd.s32 $0x1340, s0  }
0xd7: {  	[tilespmem:s18], [sflag:$0x2] =	stream.indirect.gather [hbm4b:s3+s11], $0x20, s17, s11, $0xb8;
	[tilespmem:$0x1F400] =	vst v63  }
0xd8: {  	s19 =	sadd.s32 $0x1388, s0  }
0xd9: {  	[tilespmem:s20], [sflag:$0x2] =	stream.indirect.gather [hbm4b:s3+s9], $0x20, s19, s9, $0xb8;
	[tilespmem:$0x1F400] =	vst v63  }
0xda: {  	s10 =	sadd.s32 $0x1408, s0  }
0xdb: {  	[tilespmem:s2], [sflag:$0x2] =	stream.indirect.gather [hbm4b:s3+s11], $0x20, s10, s11, $0xb8;
	[tilespmem:$0x1F400] =	vst v63  }
0xdc: {  	s17 =	sadd.s32 $0x1450, s0;
	s19 =	simm.s32 $0x15E00  }
0xdd: {  	[tilespmem:s19], [sflag:$0x2] =	stream.indirect.gather [hbm4b:s3+s9], $0x20, s17, s9, $0xb8;
	[tilespmem:$0x1F400] =	vst v63  }
0xde: {  	s17 =	sadd.s32 $0x14D0, s0;
	s19 =	simm.s32 $0x16E00  }
0xdf: {  	[tilespmem:s19], [sflag:$0x2] =	stream.indirect.gather [hbm4b:s3+s11], $0x20, s17, s11, $0xb8;
	[tilespmem:$0x1F400] =	vst v63  }
0xe0: {  	s17 =	sadd.s32 $0x1518, s0;
	s19 =	simm.s32 $0x17700  }
0xe1: {  	[tilespmem:s19], [sflag:$0x2] =	stream.indirect.gather [hbm4b:s3+s9], $0x20, s17, s9, $0xb8;
	[tilespmem:$0x1F400] =	vst v63  }
0xe2: {  	s17 =	sadd.s32 $0x1598, s0;
	s19 =	simm.s32 $0x18700  }
0xe3: {  	[tilespmem:s19], [sflag:$0x2] =	stream.indirect.gather [hbm4b:s3+s11], $0x20, s17, s11, $0xb8;
	[tilespmem:$0x1F400] =	vst v63  }
0xe4: {  	s17 =	sadd.s32 $0x15E0, s0;
	s19 =	simm.s32 $0x19000  }
0xe5: {  	[tilespmem:s19], [sflag:$0x2] =	stream.indirect.gather [hbm4b:s3+s9], $0x20, s17, s9, $0xb8;
	[tilespmem:$0x1F400] =	vst v63  }
0xe6: {  	s17 =	sadd.s32 $0x1660, s0;
	s19 =	simm.s32 $0x1A000  }
0xe7: {  	[tilespmem:s19], [sflag:$0x2] =	stream.indirect.gather [hbm4b:s3+s11], $0x20, s17, s11, $0xb8;
	[tilespmem:$0x1F400] =	vst v63  }
0xe8: {  	s17 =	sadd.s32 $0x16A8, s0;
	s19 =	simm.s32 $0x1A900  }
0xe9: {  	[tilespmem:s19], [sflag:$0x2] =	stream.indirect.gather [hbm4b:s3+s9], $0x20, s17, s9, $0xb8;
	[tilespmem:$0x1F400] =	vst v63  }
0xea: {  	s17 =	sadd.s32 $0x1728, s0;
	s19 =	simm.s32 $0x1B900  }
0xeb: {  	[tilespmem:s19], [sflag:$0x2] =	stream.indirect.gather [hbm4b:s3+s11], $0x20, s17, s11, $0xb8;
	[tilespmem:$0x1F400] =	vst v63  }
0xec: {  	p0 =	sne.s32 s31, $0x12C00;
	s17 =	sadd.s32 $0x1770, s0;
	s19 =	simm.s32 $0x1C200  }
0xed: {  	[tilespmem:s19], [sflag:$0x2] =	stream.indirect.gather [hbm4b:s3+s9], $0x20, s17, s9, $0xb8;
	[tilespmem:$0x1F400] =	vst v63  }
.Ltmp0:
0xee: {  	s31 =	sadd.s32 $0x3200, s31;
	(pc) =	sbr.rel @p0 .LBB2_2-.Ltmp0, $4  }
0xef: {  	s28 =	simm.s32 $0x6400;
	s17 =	sadd.s32 $0x17F0, s0;
	s19 =	simm.s32 $0x1D200  }
0xf0: {  	[tilespmem:s19], [sflag:$0x2] =	stream.indirect.gather [hbm4b:s3+s11], $0x20, s17, s11, $0xb8;
	[tilespmem:$0x1F400] =	vst v63  }
0xf1: {  	s17 =	sadd.s32 $0x1838, s0;
	s19 =	simm.s32 $0x1DB00;
	s0 =	sadd.s32 $0x18B8, s0  }
0xf2: {  	[tilespmem:s19], [sflag:$0x2] =	stream.indirect.gather [hbm4b:s3+s9], $0x20, s17, s9, $0xb8;
	[tilespmem:$0x1F400] =	vst v63  }
0xf3: {  	s2 =	simm.s32 $0x1EB00  }
0xf4: {  	[tilespmem:s2], [sflag:$0x2] =	stream.indirect.gather [hbm4b:s3+s11], $0x20, s0, s11, $0xb8;
	[tilespmem:$0x1F400] =	vst v63  }
0xf5: {  	_ =	swait.ge [sflag:s22], $0xC800  }
0xf6: {  	[sflag:s22] =	ssyncset.done $0x0  }
0xf7: {  	s23 =	simm.s32 $0x0;
	s21 =	rddreg [dreg:$0x6];
	[sflag:s22] =	ssyncadd.s32 $0xFFFF3800  }
0xf8: {  	[hbm4b:s21+s23] =	stream.linear.scatter [tilespmem:s28], [sflag:$0x3], $0xC800, $0x38;
	[tilespmem:$0x1F400] =	vst v63  }
0xf9: {  	_ =	swait.ge [sflag:s26], $0xC800  }
0xfa: {  	[sflag:s26] =	ssyncset.done $0x0  }
0xfb: {  	s25 =	rddreg [dreg:$0x7];
	[sflag:s26] =	ssyncadd.s32 $0xFFFF3800  }
0xfc: {  	[hbm4b:s25+s23] =	stream.linear.scatter [tilespmem:s1], [sflag:$0x4], $0xC800, $0x38;
	[tilespmem:$0x1F400] =	vst v63  }
0xfd: {  	_ =	swait.ge [sflag:s24], $0xC800  }
0xfe: {  	[sflag:s24] =	ssyncset.done $0x0  }
0xff: {  	s19 =	simm.s32 $0x7400;
	[sflag:s24] =	ssyncadd.s32 $0xFFFF3800  }
0x100: {  	s17 =	simm.s32 $0x8D00;
	s13 =	simm.s32 $0xA600;
	_ =	swait.ge [sflag:s29], $0xC800  }
0x101: {  	s4 =	simm.s32 $0xC800;
	s5 =	simm.s32 $0xD800;
	s10 =	rddreg [dreg:$0x8]  }
0x102: {  	s6 =	simm.s32 $0xE100;
	s30 =	rddreg [dreg:$0x5];
	s10 =	sadd.s32 $0x1, s10  }
0x103: {  	s7 =	simm.s32 $0xF100;
	s8 =	simm.s32 $0xFA00;
	p0 =	sne.s32 s10, s30  }
.Ltmp1:
0x104: {  	s12 =	simm.s32 $0x10A00;
	s14 =	simm.s32 $0x11300;
	(pc) =	sbr.rel @p0 .LBB2_1-.Ltmp1, $4  }
0x105: {  	s16 =	simm.s32 $0x12300;
	s18 =	simm.s32 $0x13C00;
	s20 =	simm.s32 $0x14500  }
0x106: {  	s31 =	simm.s32 $0x15E00;
	s15 =	simm.s32 $0x16E00;
	s2 =	simm.s32 $0x15500  }
0x107: {  	s28 =	simm.s32 $0xAF00;
	s21 =	simm.s32 $0xBF00;
	[sflag:s29] =	ssyncset.done $0x0  }
0x108: {  	s23 =	simm.s32 $0x7D00;
	s25 =	simm.s32 $0x9600;
	[sflag:s29] =	ssyncadd.s32 $0xFFFF3800  }
0x109: {  	_ =	sfence.sel $0x180000  }
0x10a: {  	[bflag:$0x0] =	sbarrier.arrive $0xFFFF  }
0x10b: {  	_ =	strace $0x90000047  }
0x10c: {  	s0 =	stileid.u32;
	[bflag:$0x2] =	sbarrier.arrive $0xFFFF  }
0x10d: {  	p0 =	sne.s32 s0, $0x0;
	s0 =	rddreg [dreg:$0x2]  }
0x10e: {  	s0 =	sadd.s32 @!p0 $0x100000, s0  }
0x10f: {  	[sflag:s0] =	ssyncadd.tile.s32 @!p0 $0x1;
	_ =	shalt  }
.Lfunc_end2:
_tile_overlayer_lowered:
.L_overlay_start_2:
0x110: {  	(tag) =	ssettag $0x2  }
0x111: {  	s0 =	rddreg [dreg:$0x0];
	s2 =	stileid.u32  }
0x112: {  	s1 =	rddreg [dreg:$0x1];
	p0 =	sne.s32 s2, $0x0  }
0x113: {  	s3 =	rddreg [dreg:$0x2];
	[bflag:$0x3] =	sbarrier.arrive $0xFFFF;
	s2 =	simm.s32 @!p0 $0x1C05  }
0x114: {  	[timem:s3], [sflag:s2] =	dma.local @!p0 [hbm:s0], s1  }
0x115: {  	s0 =	simm.s32 @!p0 $0x5  }
0x116: {  	_ =	swait.ge @!p0 [sflag:s0], s1  }
0x117: {  	s1 =	ssub.s32 @!p0 $0x0, s1;
	[sflag:s0] =	ssyncset.done @!p0 $0x0  }
0x118: {  	[sflag:s0] =	ssyncadd.s32 @!p0 s1  }
0x119: {  	[bflag:$0x3] =	sbarrier.arrive $0xFFFF  }
0x11a: {  	_ =	shalt  }

// kernel: sparse-core-data-format-call.cloned.1.call-start
scs
called_computation_lowered:
.L_overlay_start_0:
0x0: {  	s2 =	sld [smem:$0x3FD9]  }
0x1: {  	s3 =	sld [smem:$0x3FFE];
	_ =	sdelay $0x1  }
0x2: {  	s1 =	srdreg.scid  }
0x3: {  	s0 =	sand.u32 $0x1, s1  }
0x4: {  	s18 =	sshll.u32 s0, $0xA;
	s2 =	sadd.s32 s3, s2  }
0x5: {  	s2 =	sadd.s32 s2, s18  }
0x6: {  	[smem:$0x3FC6] =	sst s2  }
0x7: {  	_ = 	snop  }
0x8: {  	s2 =	sld [smem:$0x3FD0];
	(tm) =	ssettm $0x1  }
0x9: {  	s19 =	sld [smem:$0x3FFB];
	_ =	sdelay $0x3  }
0xa: {  	_ =	strace s19  }
0xb: {  	s3 =	sld [smem:$0x3FFC];
	_ =	sdelay $0x3  }
0xc: {  	_ =	strace s3  }
0xd: {  	s3 =	sld [smem:$0x3FFD];
	_ =	sdelay $0x3  }
0xe: {  	_ =	strace s3  }
0xf: {  	_ =	strace $0x8FFFFFFF  }
0x10: {  	s20 =	sld [smem:$0x3FDB];
	_ =	sdelay $0x1  }
0x11: {  	s4 =	simm.s32 $_scs_section_size  }
0x12: {  	s5 =	simm.s32 $_size__tile_overlayer_lowered;
	s6 =	simm.s32 $_tile_overlayer_lowered  }
0x13: {  	s23 =	simm.s32 $0x1BFF;
	s22 =	sshll.u32 s6, $0x1;
	s3 =	sadd.s32 s4, s20  }
0x14: {  	s7 =	simm.s32 $0x0;
	s21 =	sshll.u32 s5, $0x1;
	s5 =	sadd.s32 s22, s3  }
0x15: {  	[timem:s7], [sflag:s23] =	dma.local [hbm:s5], s21  }
0x16: {  	_ =	swait.ge [sflag:s23], s21  }
0x17: {  	s4 =	ssub.s32 $0x0, s21;
	[sflag:s23] =	ssyncset.done $0x0  }
0x18: {  	[sflag:s23] =	ssyncadd.s32 s4;
	_ =	sdelay $0x1  }
0x19: {  	s24 =	simm.s32 $0x1B8B  }
0x1a: {  	_ =	swait.ge [sflag:s24], $0x1  }
0x1b: {  	[sflag:s24] =	ssyncset.done $0x0  }
0x1c: {  	s26 =	simm.s32 $0x1B8E;
	s25 =	sld [smem:$0x3FFE];
	[sflag:s24] =	ssyncadd.s32 $0xFFFFFFFF  }
0x1d: {  	s27 =	simm.s32 $execute0_lowered;
	[smem:$0x3FD2] =	sst s26  }
0x1e: {  	s5 =	sshll.u32 s27, $0x1;
	_ =	strace $0x80000049;
	[dreg:$0x1] =	wrdreg $0xFFFFFFFF  }
0x1f: {  	s28 =	simm.s32 $_size_execute0_lowered;
	s3 =	sadd.s32 s3, s5;
	[dreg:$0x0] =	wrdreg $0x0  }
0x20: {  	s5 =	sshll.u32 s28, $0x1;
	[dreg:$0x2] =	wrdreg s3  }
0x21: {  	[dreg:$0x3] =	wrdreg s5  }
0x22: {  	[dreg:$0x4] =	wrdreg $0xC0  }
0x23: {  	_ =	task [dreg:s7], $0x5FFFF  }
0x24: {  	[dreg:$0x1] =	wrdreg $0xFFFFFFFF  }
0x25: {  	[dreg:$0x0] =	wrdreg $0x60  }
0x26: {  	[dreg:$0x2] =	wrdreg s25  }
0x27: {  	[dreg:$0x3] =	wrdreg s2  }
0x28: {  	[dreg:$0x4] =	wrdreg $0x9  }
0x29: {  	_ =	task.clear_ibuf [dreg:s7], $0x5FFFF;
	_ =	strace $0x90000049  }
0x2a: {  	s29 =	simm.s32 $0x9;
	_ =	strace $0x8000004B  }
0x2b: {  	_ =	swait.ge [sflag:s29], $0x1  }
0x2c: {  	[sflag:s29] =	ssyncadd.s32 $0xFFFFFFFF  }
0x2d: {  	_ =	strace $0x9000004B  }
0x2e: {  	_ =	sfence  }
0x2f: {  	s30 =	sld [smem:$0x0];
	_ =	sdelay $0x2  }
0x30: {  	s31 =	sshll.u32 s1, $0xD;
	s1 =	sshrl.u32 s1, $0x2  }
0x31: {  	s3 =	sand.u32 $0x4000, s31;
	s1 =	sadd.s32 s1, s30  }
0x32: {  	s0 =	sor.u32 s3, s0;
	s1 =	sshll.u32 s1, $0x11  }
0x33: {  	s0 =	sor.u32 s1, s0  }
0x34: {  	s0 =	sadd.s32 $0x8F2B, s0  }
0x35: {  	[sflag:s0] =	ssyncadd.remote.s32 $0x1  }
0x36: {  	_ =	sfence.sel $0xFFFF  }
0x37: {  	[dreg:$0x0] =	wrdreg $0xFFFFFFFF;
	(pc) =	sbr.abs _section_cstart, $3  }
0x38: {  	[dreg:$0x1] =	wrdreg $0xFFFFFFFF  }
0x39: {  	_ =	task.clear_ibuf [dreg:s7], $0x2FFFF;
	_ =	strace $0x9FFFFFFF  }
0x3a: {  	(tm) =	ssettm $0x7FFFFFFF  }
0x3b: {  	_ =	shalt  }
tec
execute0_lowered:
.L_overlay_start_1:
0x0: {  	(tag) =	ssettag $0x1  }
0x1: {  	s0 =	srdreg.scid  }
0x2: {  	s1 =	sshll.u32 s0, $0x4  }
0x3: {  	s0 =	stileid.u32;
	s1 =	sand.u32 $0x10, s1  }
0x4: {  	s1 =	sor.u32 s0, s1  }
0x5: {  	s6 =	rddreg [dreg:$0x0];
	s4 =	simm.s32 $0x1;
	s2 =	sshll.u32 s1, $0x7  }
0x6: {  	s7 =	simm.s32 $0x2;
	s12 =	simm.s32 $0x0;
	s1 =	ssub.s32 $0x1000, s2  }
0x7: {  	s8 =	simm.s32 $0x8000;
	s13 =	simm.s32 $0x0;
	s3 =	sand.u32 $0xF80, s1  }
0x8: {  	s9 =	simm.s32 $0x0;
	s5 =	sshrl.u32 s1, $0xC;
	p0 =	sne.s32 s3, $0x0  }
.Ltmp0:
0x9: {  	s1 =	rddreg [dreg:$0x2];
	s4 =	simm.s32 @!p0 $0x0;
	(pc) =	sbr.rel .LBB1_1-.Ltmp0, $4  }
0xa: {  	s11 =	simm.s32 $0x0;
	s3 =	rddreg [dreg:$0x1];
	s5 =	sadd.s32 s4, s5  }
0xb: {  	_ =	strace $0x8000004A;
	s4 =	simm.s32 $0x1;
	s5 =	smul.u32 $0xC8, s5  }
0xc: {  	s6 =	sadd.s32 $0xA00, s6;
	s10 =	smov.u32 s2;
	[sflag:s4] =	ssyncpa.u1 $0x0  }
0xd: {  	p0 =	por $0x0, $0x0;
	[sflag:s7] =	ssyncpa.u1 $0x0;
	s7 =	sor.u32 $0x1, s5  }
.LBB1_4:
0xe: {  	s16 =	sshll.u32 s13, $0x3;
	s17 =	sand.u32 $0x78, s13  }
0xf: {  	s30 =	sand.u32 $0x3E00, s13;
	s12 =	sshll.u32 s12, $0xE;
	s16 =	sand.u32 $0xC00, s16  }
0x10: {  	s31 =	sand.u32 $0x7, s13;
	s16 =	sor.u32 s17, s16;
	s17 =	sadd.s32 s3, s30  }
0x11: {  	s13 =	sshll.u32 s31, $0x12;
	s16 =	sshrl.u32 s16, $0x3;
	s12 =	sadd.s32 s12, s17  }
0x12: {  	[tilespmem:s15+$0x0 ss:$0x81] =	vst.msk $0xffff, v0;
	s13 =	sor.u32 $0x400, s13;
	s12 =	sadd.s32 s16, s12  }
0x13: {  	[hbm4b:s12+s13] =	stream.strided.scatter [tilespmem:s14], [sflag:$0x2], $0x1000, s8, s13, $0x20;
	[tilespmem:$0x4040] =	vst v63  }
.LBB1_5:
0x14: {  	s14 =	sadd.s32 $0x1, s9  }
0x15: {  	s12 =	sadd.s32 $0x1000, s10;
	s16 =	smov.u32 s10;
	p2 =	sgt.s32 s14, $0xC7  }
0x16: {  	s16 =	smov.u32 @p2 s12  }
0x17: {  	s14 =	simm.s32 @p2 $0x0;
	p2 =	sgt.s32 s16, $0xFFF  }
0x18: {  	s16 =	smov.u32 @p2 s2;
	p2 =	sne.s32 s11, s7  }
.Ltmp1:
0x19: {  	p1 =	slt.u32 s11, $0x2;
	(pc) =	sbr.rel @!p2 .LBB1_6-.Ltmp1, $4  }
0x1a: {  	s15 =	simm.s32 @!p1 $0x2  }
0x1b: {  	s13 =	smov.u32 s10;
	p0 =	por !p0, !p0;
	_ =	swait.ge @!p1 [sflag:s15], $0x1000  }
0x1c: {  	s12 =	smov.u32 s9;
	[sflag:s15] =	ssyncset.done @!p1 $0x0;
	s9 =	smov.u32 s14  }
0x1d: {  	s11 =	sadd.s32 $0x1, s11;
	[sflag:s15] =	ssyncadd.s32 @!p1 $0xFFFFF000;
	s10 =	smov.u32 s16  }
.LBB1_1:
0x1e: {  	p1 =	sge.u32 s11, s5  }
0x1f: {  	s14 =	sand.u32 @!p1 $0x1FFFFFF, s9  }
0x20: {  	s15 =	smulhi.u32 @!p1 $0x147AE15, s14;
	_ =	sdelay $0x1  }
0x21: {  	s15 =	smul.u32 @!p1 $0xC8, s15  }
0x22: {  	s16 =	sxor.u32 @!p1 $0xFFFFFFFF, s11;
	s17 =	smul.u32 @!p1 $0xC80, s10  }
0x23: {  	s31 =	sadd.s32 $0xFFFFFFFF, s11;
	s16 =	sshll.u32 @!p1 s16, $0xC;
	s14 =	ssub.s32 @!p1 s14, s15  }
0x24: {  	s15 =	sand.u32 @!p1 $0x1000, s16;
	s16 =	sadd.s32 @!p1 s6, s17;
	s14 =	sshll.u32 @!p1 s14, $0x4  }
0x25: {  	s17 =	simm.s32 @!p1 $0x6400;
	s14 =	sadd.s32 @!p1 s14, s16;
	s16 =	simm.s32 @!p1 $0x20  }
0x26: {  	[tilespmem:s15], [sflag:$0x1] =	stream.strided.gather @!p1 [hbm4b:s14+s16], $0x1000, s17, s16, $0x38;
	[tilespmem:$0x4040] =	vst v63  }
0x27: {  	p1 =	sge.u32 s31, s5  }
.Ltmp2:
0x28: {  	_ = 	snop;
	(pc) =	sbr.rel @p1 .LBB1_5-.Ltmp2, $1  }
0x29: {  	_ =	sdelay $0x3  }
0x2a: {  	s14 =	simm.s32 $0x1  }
0x2b: {  	_ =	swait.ge [sflag:s4], $0x1000;
	s14 =	simm.s32 @!p0 $0x0  }
0x2c: {  	[sflag:s4] =	ssyncset.done $0x0;
	s15 =	sshll.u32 s14, $0xC  }
0x2d: {  	[sflag:s4] =	ssyncadd.s32 $0xFFFFF000;
	s18 =	sor.u32 $0x10, s15  }
0x2e: {  	s14 =	smul.u32 $0x4080, s14;
	v1 =	vld [tilespmem:s18+$0x0]  }
0x2f: {  	s30 =	sand.u32 $0x1, s11;
	v0 =	vld [tilespmem:s18+$0xFFFFFFF0]  }
0x30: {  	s15 =	smul.u32 $0x4080, s30;
	s14 =	sshrl.u32 s14, $0x2  }
0x31: {  	s16 =	sor.u32 $0x2000, s14  }
0x32: {  	s31 =	sshrl.u32 s15, $0x2;
	s15 =	sadd.s32 $0x0, s16  }
0x33: {  	s17 =	simm.s32 $0x4;
	s18 =	sadd.s32 $0x20, s18;
	s14 =	sor.u32 $0x2000, s31;
	[tilespmem:s15+$0x810 ss:$0x81] =	vst.msk $0xffff, v1  }
.LBB1_3:
0x34: {  	v1 =	vld [tilespmem:s18+$0x0];
	p1 =	sne.s32 s17, $0x1FC;
	[tilespmem:s15+$0x0 ss:$0x81] =	vst.msk $0xffff, v0;
	s15 =	smov.u32 s17;
	s17 =	sadd.s32 $0x4, s17  }
.Ltmp3:
0x35: {  	v0 =	vld [tilespmem:s18+$0xFFFFFFF0];
	(pc) =	sbr.rel @p1 .LBB1_3-.Ltmp3, $4  }
0x36: {  	_ = 	snop  }
0x37: {  	s15 =	sshra.s32 s15, $0x2  }
0x38: {  	s15 =	sadd.s32 s15, s16  }
0x39: {  	s18 =	sadd.s32 $0x20, s18;
	[tilespmem:s15+$0x810 ss:$0x81] =	vst.msk $0xffff, v1  }
.Ltmp4:
0x3a: {  	_ = 	snop;
	(pc) =	sbr.rel .LBB1_4-.Ltmp4, $1  }
0x3b: {  	_ =	sdelay $0x3  }
.LBB1_6:
0x3c: {  	_ =	sfence.sel $0x180000  }
0x3d: {  	s2 =	simm.s32 $0x1;
	[bflag:$0x0] =	sbarrier.arrive $0xFFFF  }
0x3e: {  	s31 =	simm.s32 $0x2;
	[sflag:s2] =	ssyncpa.u1 $0x1  }
0x3f: {  	[sflag:s31] =	ssyncpa.u1 $0x1  }
0x40: {  	p0 =	sne.s32 s0, $0x0;
	_ =	strace $0x9000004A  }
0x41: {  	s0 =	sadd.s32 @!p0 $0x100000, s1;
	[bflag:$0x2] =	sbarrier.arrive $0xFFFF  }
0x42: {  	[sflag:s0] =	ssyncadd.tile.s32 @!p0 $0x1;
	_ =	shalt  }
.Lfunc_end1:
_tile_overlayer_lowered:
.L_overlay_start_2:
0x43: {  	(tag) =	ssettag $0x2  }
0x44: {  	s0 =	rddreg [dreg:$0x0];
	s2 =	stileid.u32  }
0x45: {  	s1 =	rddreg [dreg:$0x1];
	p0 =	sne.s32 s2, $0x0  }
0x46: {  	s3 =	rddreg [dreg:$0x2];
	[bflag:$0x3] =	sbarrier.arrive $0xFFFF;
	s2 =	simm.s32 @!p0 $0x1C01  }
0x47: {  	[timem:s3], [sflag:s2] =	dma.local @!p0 [hbm:s0], s1  }
0x48: {  	s0 =	simm.s32 @!p0 $0x1  }
0x49: {  	_ =	swait.ge @!p0 [sflag:s0], s1  }
0x4a: {  	s1 =	ssub.s32 @!p0 $0x0, s1;
	[sflag:s0] =	ssyncset.done @!p0 $0x0  }
0x4b: {  	[sflag:s0] =	ssyncadd.s32 @!p0 s1  }
0x4c: {  	[bflag:$0x3] =	sbarrier.arrive $0xFFFF  }
0x4d: {  	_ =	shalt  }

</sc_bundles>
